<compile_context>
chip_gen: v7x
topology: tpu7x:2x2x1
jax: 0.10.2.dev20260603
libtpu: 0.0.44.dev20260713+nightly
codegen_flags: <defaults>
</compile_context>

<pallas_src>
import functools

import jax
import jax.numpy as jnp
from jax import lax
from jax.experimental import pallas as pl
from jax.experimental.pallas import tpu as pltpu
from jax.experimental.pallas import tpu_sc as plsc

NUM_WORKERS = 32
LT = 8
BC = 512


def _build_sc_gather(B, L, D, VPAD):
    n_bc = B // BC
    n_units = (L // LT) * n_bc
    units_per_w = n_units // NUM_WORKERS
    groups = BC // 16
    mesh = plsc.VectorSubcoreMesh(core_axis_name="c", subcore_axis_name="s")

    @functools.partial(
        pl.kernel,
        mesh=mesh,
        out_type=jax.ShapeDtypeStruct((D, L, B), jnp.float32),
        compiler_params=pltpu.CompilerParams(needs_layout_passes=False),
        scratch_types=[
            [pltpu.VMEM((VPAD,), jnp.float32) for _ in range(D)],
            pltpu.VMEM((LT, BC), jnp.int32),
            pltpu.VMEM((LT, BC), jnp.int32),
            pltpu.VMEM((D, LT, BC), jnp.float32),
            pltpu.VMEM((D, LT, BC), jnp.float32),
            pltpu.SemaphoreType.DMA,
            pltpu.SemaphoreType.DMA,
            pltpu.SemaphoreType.DMA,
            pltpu.SemaphoreType.DMA,
            pltpu.SemaphoreType.DMA,
        ],
    )
    def gather_kernel(
        table_hbm, idx_hbm, out_hbm,
        tabs, idx_v0, idx_v1, slab_v0, slab_v1,
        sem_in0, sem_in1, sem_out0, sem_out1, sem_tab,
    ):
        wid = lax.axis_index("s") * 2 + lax.axis_index("c")
        for j in range(D):
            pltpu.async_copy(table_hbm.at[pl.ds(j * VPAD, VPAD)], tabs[j], sem_tab)
        idx_bufs = (idx_v0, idx_v1)
        slab_bufs = (slab_v0, slab_v1)
        in_sems = (sem_in0, sem_in1)
        out_sems = (sem_out0, sem_out1)

        def idx_src(u):
            unit = wid * units_per_w + u
            lt = unit // n_bc
            bc = unit % n_bc
            return idx_hbm.at[pl.ds(lt * LT, LT), pl.ds(bc * BC, BC)]

        def out_dst(u):
            unit = wid * units_per_w + u
            lt = unit // n_bc
            bc = unit % n_bc
            return out_hbm.at[:, pl.ds(lt * LT, LT), pl.ds(bc * BC, BC)]

        def compute(idx_v, slab_v):
            @plsc.parallel_loop(0, LT * groups, unroll=4)
            def group_body(g):
                r = g // groups
                cc = (g % groups) * 16
                rows = idx_v[r, pl.ds(cc, 16)]
                for j in range(D):
                    vals = plsc.load_gather(tabs[j], [rows])
                    slab_v[j, r, pl.ds(cc, 16)] = vals

        def step(u, b):
            idx_v, slab_v = idx_bufs[b], slab_bufs[b]
            sem_in, sem_out = in_sems[b], out_sems[b]
            pltpu.make_async_copy(idx_src(u), idx_v, sem_in).wait()

            @pl.when(u >= 2)
            def _():
                pltpu.make_async_copy(slab_v, out_dst(u - 2), sem_out).wait()

            compute(idx_v, slab_v)
            pltpu.async_copy(slab_v, out_dst(u), sem_out)

            @pl.when(u + 2 < units_per_w)
            def _():
                pltpu.async_copy(idx_src(u + 2), idx_v, sem_in)

        pltpu.async_copy(idx_src(0), idx_v0, sem_in0)
        pltpu.async_copy(idx_src(1), idx_v1, sem_in1)
        for j in range(D):
            pltpu.make_async_copy(
                table_hbm.at[pl.ds(j * VPAD, VPAD)], tabs[j], sem_tab
            ).wait()

        def outer_body(o, carry):
            step(o * 2, 0)
            step(o * 2 + 1, 1)
            return carry

        lax.fori_loop(0, units_per_w // 2, outer_body, 0)
        if units_per_w % 2:
            step(units_per_w - 1, 0)
        pltpu.make_async_copy(
            slab_bufs[units_per_w % 2], out_dst(units_per_w - 2),
            out_sems[units_per_w % 2],
        ).wait()
        pltpu.make_async_copy(
            slab_bufs[1 - units_per_w % 2], out_dst(units_per_w - 1),
            out_sems[1 - units_per_w % 2],
        ).wait()

    return gather_kernel


def kernel(atomic_numbers, mask_weight):
    B, L = atomic_numbers.shape
    V, D = mask_weight.shape
    VPAD = 128
    idx_t = atomic_numbers.T
    cols = jnp.zeros((D, VPAD), jnp.float32).at[:, :V].set(mask_weight.T)
    out_dlb = _build_sc_gather(B, L, D, VPAD)(cols.reshape(D * VPAD), idx_t)
    return out_dlb.transpose(2, 1, 0)

# --- scband reference (transcript-rebuilt; emitter-appended) ---
"""Pipeline reference for scband-element-mask-30983894073388 (READ-ONLY COPY).

The authoritative reference and input builder live on the scoring server;
editing this copy changes nothing except your own understanding.
"""

import jax, jax.numpy as jnp
import numpy as np

ELEMENTS = [1, 6, 7, 8, 9, 15, 16, 17, 35, 53]

def _make_mask_weight():
    nelems = len(ELEMENTS)
    w = np.zeros((100, nelems), dtype=np.float32)
    for idx, Z in enumerate(ELEMENTS):
        w[Z, idx] = 1.0
    return jnp.asarray(w)

def setup_inputs(seed: int = 0) -> dict:
    key = jax.random.key(seed)
    atomic_numbers = jax.random.randint(key, (16384, 200), 0, 100, dtype=jnp.int32)
    mask_weight = _make_mask_weight()
    return {"atomic_numbers": atomic_numbers, "mask_weight": mask_weight}

def reference(atomic_numbers, mask_weight):
    # nn.Embedding lookup: table[idx] -> [B, L, nelems]
    return jnp.take(mask_weight, atomic_numbers, axis=0)

if __name__ == "__main__":
    import jax
    _d = setup_inputs()
    print(jax.jit(kernel)(*tuple(_d.values())))

</pallas_src>

<mosaic_0001>
#map = affine_map<(d0, d1) -> (0)>
#map1 = affine_map<(d0, d1) -> (0, 0)>
#map2 = affine_map<(d0, d1) -> (0, 0, 0)>
module attributes {stable_mosaic.version = 14 : i64} {
  func.func @gather_kernel(%arg0: i32, %arg1: i32, %arg2: memref<1280xf32, #tpu.memory_space<hbm>>, %arg3: memref<200x16384xi32, #tpu.memory_space<hbm>>, %arg4: memref<10x200x16384xf32, #tpu.memory_space<hbm>>, %arg5: memref<128xf32, #tpu.memory_space<vmem>>, %arg6: memref<128xf32, #tpu.memory_space<vmem>>, %arg7: memref<128xf32, #tpu.memory_space<vmem>>, %arg8: memref<128xf32, #tpu.memory_space<vmem>>, %arg9: memref<128xf32, #tpu.memory_space<vmem>>, %arg10: memref<128xf32, #tpu.memory_space<vmem>>, %arg11: memref<128xf32, #tpu.memory_space<vmem>>, %arg12: memref<128xf32, #tpu.memory_space<vmem>>, %arg13: memref<128xf32, #tpu.memory_space<vmem>>, %arg14: memref<128xf32, #tpu.memory_space<vmem>>, %arg15: memref<8x512xi32, #tpu.memory_space<vmem>>, %arg16: memref<8x512xi32, #tpu.memory_space<vmem>>, %arg17: memref<10x8x512xf32, #tpu.memory_space<vmem>>, %arg18: memref<10x8x512xf32, #tpu.memory_space<vmem>>, %arg19: memref<!tpu.dma_semaphore, #tpu.memory_space<semaphore_mem>>, %arg20: memref<!tpu.dma_semaphore, #tpu.memory_space<semaphore_mem>>, %arg21: memref<!tpu.dma_semaphore, #tpu.memory_space<semaphore_mem>>, %arg22: memref<!tpu.dma_semaphore, #tpu.memory_space<semaphore_mem>>, %arg23: memref<!tpu.dma_semaphore, #tpu.memory_space<semaphore_mem>>) attributes {dimension_semantics = [#tpu.dimension_semantics<core_parallel>, #tpu.dimension_semantics<subcore_parallel>], iteration_bounds = array<i64: 2, 16>, scalar_prefetch = 0 : i64, scratch_operands = 19 : i64, tpu.core_type = #tpu.core_type<sc_vector_subcore>, window_params = [{transform_indices = #map}, {transform_indices = #map1}, {transform_indices = #map2}]} {
    %mul3A = arith.constant 2 : i32
    %mul3A_0 = arith.muli %arg1, %mul3A : i32
    %add3A = arith.addi %mul3A_0, %arg0 : i32
    %dma_start3A = arith.constant 0 : i32
    %dma_start3A_1 = tpu.memref_slice %arg2[%dma_start3A] : memref<1280xf32, #tpu.memory_space<hbm>> -> memref<128xf32, #tpu.memory_space<hbm>>
    %dma_start3A_2 = arith.constant 0 : i32
    %dma_start3A_3 = tpu.memref_slice %arg2[%dma_start3A_2] : memref<1280xf32, #tpu.memory_space<hbm>> -> memref<128xf32, #tpu.memory_space<hbm>>
    tpu.enqueue_dma source(%dma_start3A_3 : memref<128xf32, #tpu.memory_space<hbm>>) target(%arg5 : memref<128xf32, #tpu.memory_space<vmem>>) target_semaphore(%arg23 : memref<!tpu.dma_semaphore, #tpu.memory_space<semaphore_mem>>)
    %dma_start3A_4 = arith.constant 128 : i32
    %dma_start3A_5 = tpu.memref_slice %arg2[%dma_start3A_4] : memref<1280xf32, #tpu.memory_space<hbm>> -> memref<128xf32, #tpu.memory_space<hbm>>
    %dma_start3A_6 = arith.constant 128 : i32
    %dma_start3A_7 = tpu.memref_slice %arg2[%dma_start3A_6] : memref<1280xf32, #tpu.memory_space<hbm>> -> memref<128xf32, #tpu.memory_space<hbm>>
    tpu.enqueue_dma source(%dma_start3A_7 : memref<128xf32, #tpu.memory_space<hbm>>) target(%arg6 : memref<128xf32, #tpu.memory_space<vmem>>) target_semaphore(%arg23 : memref<!tpu.dma_semaphore, #tpu.memory_space<semaphore_mem>>)
    %dma_start3A_8 = arith.constant 256 : i32
    %dma_start3A_9 = tpu.memref_slice %arg2[%dma_start3A_8] : memref<1280xf32, #tpu.memory_space<hbm>> -> memref<128xf32, #tpu.memory_space<hbm>>
    %dma_start3A_10 = arith.constant 256 : i32
    %dma_start3A_11 = tpu.memref_slice %arg2[%dma_start3A_10] : memref<1280xf32, #tpu.memory_space<hbm>> -> memref<128xf32, #tpu.memory_space<hbm>>
    tpu.enqueue_dma source(%dma_start3A_11 : memref<128xf32, #tpu.memory_space<hbm>>) target(%arg7 : memref<128xf32, #tpu.memory_space<vmem>>) target_semaphore(%arg23 : memref<!tpu.dma_semaphore, #tpu.memory_space<semaphore_mem>>)
    %dma_start3A_12 = arith.constant 384 : i32
    %dma_start3A_13 = tpu.memref_slice %arg2[%dma_start3A_12] : memref<1280xf32, #tpu.memory_space<hbm>> -> memref<128xf32, #tpu.memory_space<hbm>>
    %dma_start3A_14 = arith.constant 384 : i32
    %dma_start3A_15 = tpu.memref_slice %arg2[%dma_start3A_14] : memref<1280xf32, #tpu.memory_space<hbm>> -> memref<128xf32, #tpu.memory_space<hbm>>
    tpu.enqueue_dma source(%dma_start3A_15 : memref<128xf32, #tpu.memory_space<hbm>>) target(%arg8 : memref<128xf32, #tpu.memory_space<vmem>>) target_semaphore(%arg23 : memref<!tpu.dma_semaphore, #tpu.memory_space<semaphore_mem>>)
    %dma_start3A_16 = arith.constant 512 : i32
    %dma_start3A_17 = tpu.memref_slice %arg2[%dma_start3A_16] : memref<1280xf32, #tpu.memory_space<hbm>> -> memref<128xf32, #tpu.memory_space<hbm>>
    %dma_start3A_18 = arith.constant 512 : i32
    %dma_start3A_19 = tpu.memref_slice %arg2[%dma_start3A_18] : memref<1280xf32, #tpu.memory_space<hbm>> -> memref<128xf32, #tpu.memory_space<hbm>>
    tpu.enqueue_dma source(%dma_start3A_19 : memref<128xf32, #tpu.memory_space<hbm>>) target(%arg9 : memref<128xf32, #tpu.memory_space<vmem>>) target_semaphore(%arg23 : memref<!tpu.dma_semaphore, #tpu.memory_space<semaphore_mem>>)
    %dma_start3A_20 = arith.constant 640 : i32
    %dma_start3A_21 = tpu.memref_slice %arg2[%dma_start3A_20] : memref<1280xf32, #tpu.memory_space<hbm>> -> memref<128xf32, #tpu.memory_space<hbm>>
    %dma_start3A_22 = arith.constant 640 : i32
    %dma_start3A_23 = tpu.memref_slice %arg2[%dma_start3A_22] : memref<1280xf32, #tpu.memory_space<hbm>> -> memref<128xf32, #tpu.memory_space<hbm>>
    tpu.enqueue_dma source(%dma_start3A_23 : memref<128xf32, #tpu.memory_space<hbm>>) target(%arg10 : memref<128xf32, #tpu.memory_space<vmem>>) target_semaphore(%arg23 : memref<!tpu.dma_semaphore, #tpu.memory_space<semaphore_mem>>)
    %dma_start3A_24 = arith.constant 768 : i32
    %dma_start3A_25 = tpu.memref_slice %arg2[%dma_start3A_24] : memref<1280xf32, #tpu.memory_space<hbm>> -> memref<128xf32, #tpu.memory_space<hbm>>
    %dma_start3A_26 = arith.constant 768 : i32
    %dma_start3A_27 = tpu.memref_slice %arg2[%dma_start3A_26] : memref<1280xf32, #tpu.memory_space<hbm>> -> memref<128xf32, #tpu.memory_space<hbm>>
    tpu.enqueue_dma source(%dma_start3A_27 : memref<128xf32, #tpu.memory_space<hbm>>) target(%arg11 : memref<128xf32, #tpu.memory_space<vmem>>) target_semaphore(%arg23 : memref<!tpu.dma_semaphore, #tpu.memory_space<semaphore_mem>>)
    %dma_start3A_28 = arith.constant 896 : i32
    %dma_start3A_29 = tpu.memref_slice %arg2[%dma_start3A_28] : memref<1280xf32, #tpu.memory_space<hbm>> -> memref<128xf32, #tpu.memory_space<hbm>>
    %dma_start3A_30 = arith.constant 896 : i32
    %dma_start3A_31 = tpu.memref_slice %arg2[%dma_start3A_30] : memref<1280xf32, #tpu.memory_space<hbm>> -> memref<128xf32, #tpu.memory_space<hbm>>
    tpu.enqueue_dma source(%dma_start3A_31 : memref<128xf32, #tpu.memory_space<hbm>>) target(%arg12 : memref<128xf32, #tpu.memory_space<vmem>>) target_semaphore(%arg23 : memref<!tpu.dma_semaphore, #tpu.memory_space<semaphore_mem>>)
    %dma_start3A_32 = arith.constant 1024 : i32
    %dma_start3A_33 = tpu.memref_slice %arg2[%dma_start3A_32] : memref<1280xf32, #tpu.memory_space<hbm>> -> memref<128xf32, #tpu.memory_space<hbm>>
    %dma_start3A_34 = arith.constant 1024 : i32
    %dma_start3A_35 = tpu.memref_slice %arg2[%dma_start3A_34] : memref<1280xf32, #tpu.memory_space<hbm>> -> memref<128xf32, #tpu.memory_space<hbm>>
    tpu.enqueue_dma source(%dma_start3A_35 : memref<128xf32, #tpu.memory_space<hbm>>) target(%arg13 : memref<128xf32, #tpu.memory_space<vmem>>) target_semaphore(%arg23 : memref<!tpu.dma_semaphore, #tpu.memory_space<semaphore_mem>>)
    %dma_start3A_36 = arith.constant 1152 : i32
    %dma_start3A_37 = tpu.memref_slice %arg2[%dma_start3A_36] : memref<1280xf32, #tpu.memory_space<hbm>> -> memref<128xf32, #tpu.memory_space<hbm>>
    %dma_start3A_38 = arith.constant 1152 : i32
    %dma_start3A_39 = tpu.memref_slice %arg2[%dma_start3A_38] : memref<1280xf32, #tpu.memory_space<hbm>> -> memref<128xf32, #tpu.memory_space<hbm>>
    tpu.enqueue_dma source(%dma_start3A_39 : memref<128xf32, #tpu.memory_space<hbm>>) target(%arg14 : memref<128xf32, #tpu.memory_space<vmem>>) target_semaphore(%arg23 : memref<!tpu.dma_semaphore, #tpu.memory_space<semaphore_mem>>)
    %mul3A_40 = arith.constant 25 : i32
    %mul3A_41 = arith.muli %add3A, %mul3A_40 : i32
    %add3A_42 = arith.constant 0 : i32
    %add3A_43 = arith.addi %mul3A_41, %add3A_42 : i32
    %jit3A = arith.constant 32 : i32
    %div3A = arith.divsi %add3A_43, %jit3A : i32
    %sign3A = arith.constant 0 : i32
    %sign3A_44 = arith.cmpi sgt, %add3A_43, %sign3A : i32
    %sign3A_45 = arith.extui %sign3A_44 : i1 to i32
    %sign3A_46 = arith.constant 0 : i32
    %sign3A_47 = arith.cmpi slt, %add3A_43, %sign3A_46 : i32
    %sign3A_48 = arith.extui %sign3A_47 : i1 to i32
    %sign3A_49 = arith.subi %sign3A_45, %sign3A_48 : i32
    %sign3A_50 = arith.constant 0 : i32
    %sign3A_51 = arith.cmpi sgt, %jit3A, %sign3A_50 : i32
    %sign3A_52 = arith.extui %sign3A_51 : i1 to i32
    %sign3A_53 = arith.constant 0 : i32
    %sign3A_54 = arith.cmpi slt, %jit3A, %sign3A_53 : i32
    %sign3A_55 = arith.extui %sign3A_54 : i1 to i32
    %sign3A_56 = arith.subi %sign3A_52, %sign3A_55 : i32
    %ne3A = arith.cmpi ne, %sign3A_49, %sign3A_56 : i32
    %rem3A = arith.remsi %add3A_43, %jit3A : i32
    %ne3A_57 = arith.constant 0 : i32
    %ne3A_58 = arith.cmpi ne, %rem3A, %ne3A_57 : i32
    %and3A = arith.andi %ne3A, %ne3A_58 : i1
    %sub3A = arith.constant 1 : i32
    %sub3A_59 = arith.subi %div3A, %sub3A : i32
    %select_n3A = arith.select %and3A, %sub3A_59, %div3A : i32
    %jit3A_60 = arith.constant 32 : i32
    %eq3A = arith.constant 0 : i32
    %eq3A_61 = arith.cmpi eq, %jit3A_60, %eq3A : i32
    %jit3A_62 = arith.constant 1 : i32
    %select_n3A_63 = arith.select %eq3A_61, %jit3A_62, %jit3A_60 : i32
    %rem3A_64 = arith.remsi %add3A_43, %select_n3A_63 : i32
    %ne3A_65 = arith.constant 0 : i32
    %ne3A_66 = arith.cmpi ne, %rem3A_64, %ne3A_65 : i32
    %lt3A = arith.constant 0 : i32
    %lt3A_67 = arith.cmpi slt, %rem3A_64, %lt3A : i32
    %lt3A_68 = arith.constant 0 : i32
    %lt3A_69 = arith.cmpi slt, %select_n3A_63, %lt3A_68 : i32
    %ne3A_70 = arith.xori %lt3A_67, %lt3A_69 : i1
    %and3A_71 = arith.andi %ne3A_70, %ne3A_66 : i1
    %add3A_72 = arith.addi %rem3A_64, %select_n3A_63 : i32
    %select_n3A_73 = arith.select %and3A_71, %add3A_72, %rem3A_64 : i32
    %mul3A_74 = arith.constant 8 : i32
    %mul3A_75 = arith.muli %select_n3A, %mul3A_74 : i32
    %mul3A_76 = arith.constant 512 : i32
    %mul3A_77 = arith.muli %select_n3A_73, %mul3A_76 : i32
    %dma_start3A_78 = tpu.memref_slice %arg3[%mul3A_75, %mul3A_77] : memref<200x16384xi32, #tpu.memory_space<hbm>> -> memref<8x512xi32, #tpu.memory_space<hbm>>
    %dma_start3A_79 = tpu.memref_slice %arg3[%mul3A_75, %mul3A_77] : memref<200x16384xi32, #tpu.memory_space<hbm>> -> memref<8x512xi32, #tpu.memory_space<hbm>>
    tpu.enqueue_dma source(%dma_start3A_79 : memref<8x512xi32, #tpu.memory_space<hbm>>) target(%arg15 : memref<8x512xi32, #tpu.memory_space<vmem>>) target_semaphore(%arg19 : memref<!tpu.dma_semaphore, #tpu.memory_space<semaphore_mem>>)
    %mul3A_80 = arith.constant 25 : i32
    %mul3A_81 = arith.muli %add3A, %mul3A_80 : i32
    %add3A_82 = arith.constant 1 : i32
    %add3A_83 = arith.addi %mul3A_81, %add3A_82 : i32
    %jit3A_84 = arith.constant 32 : i32
    %div3A_85 = arith.divsi %add3A_83, %jit3A_84 : i32
    %sign3A_86 = arith.constant 0 : i32
    %sign3A_87 = arith.cmpi sgt, %add3A_83, %sign3A_86 : i32
    %sign3A_88 = arith.extui %sign3A_87 : i1 to i32
    %sign3A_89 = arith.constant 0 : i32
    %sign3A_90 = arith.cmpi slt, %add3A_83, %sign3A_89 : i32
    %sign3A_91 = arith.extui %sign3A_90 : i1 to i32
    %sign3A_92 = arith.subi %sign3A_88, %sign3A_91 : i32
    %sign3A_93 = arith.constant 0 : i32
    %sign3A_94 = arith.cmpi sgt, %jit3A_84, %sign3A_93 : i32
    %sign3A_95 = arith.extui %sign3A_94 : i1 to i32
    %sign3A_96 = arith.constant 0 : i32
    %sign3A_97 = arith.cmpi slt, %jit3A_84, %sign3A_96 : i32
    %sign3A_98 = arith.extui %sign3A_97 : i1 to i32
    %sign3A_99 = arith.subi %sign3A_95, %sign3A_98 : i32
    %ne3A_100 = arith.cmpi ne, %sign3A_92, %sign3A_99 : i32
    %rem3A_101 = arith.remsi %add3A_83, %jit3A_84 : i32
    %ne3A_102 = arith.constant 0 : i32
    %ne3A_103 = arith.cmpi ne, %rem3A_101, %ne3A_102 : i32
    %and3A_104 = arith.andi %ne3A_100, %ne3A_103 : i1
    %sub3A_105 = arith.constant 1 : i32
    %sub3A_106 = arith.subi %div3A_85, %sub3A_105 : i32
    %select_n3A_107 = arith.select %and3A_104, %sub3A_106, %div3A_85 : i32
    %jit3A_108 = arith.constant 32 : i32
    %eq3A_109 = arith.constant 0 : i32
    %eq3A_110 = arith.cmpi eq, %jit3A_108, %eq3A_109 : i32
    %jit3A_111 = arith.constant 1 : i32
    %select_n3A_112 = arith.select %eq3A_110, %jit3A_111, %jit3A_108 : i32
    %rem3A_113 = arith.remsi %add3A_83, %select_n3A_112 : i32
    %ne3A_114 = arith.constant 0 : i32
    %ne3A_115 = arith.cmpi ne, %rem3A_113, %ne3A_114 : i32
    %lt3A_116 = arith.constant 0 : i32
    %lt3A_117 = arith.cmpi slt, %rem3A_113, %lt3A_116 : i32
    %lt3A_118 = arith.constant 0 : i32
    %lt3A_119 = arith.cmpi slt, %select_n3A_112, %lt3A_118 : i32
    %ne3A_120 = arith.xori %lt3A_117, %lt3A_119 : i1
    %and3A_121 = arith.andi %ne3A_120, %ne3A_115 : i1
    %add3A_122 = arith.addi %rem3A_113, %select_n3A_112 : i32
    %select_n3A_123 = arith.select %and3A_121, %add3A_122, %rem3A_113 : i32
    %mul3A_124 = arith.constant 8 : i32
    %mul3A_125 = arith.muli %select_n3A_107, %mul3A_124 : i32
    %mul3A_126 = arith.constant 512 : i32
    %mul3A_127 = arith.muli %select_n3A_123, %mul3A_126 : i32
    %dma_start3A_128 = tpu.memref_slice %arg3[%mul3A_125, %mul3A_127] : memref<200x16384xi32, #tpu.memory_space<hbm>> -> memref<8x512xi32, #tpu.memory_space<hbm>>
    %dma_start3A_129 = tpu.memref_slice %arg3[%mul3A_125, %mul3A_127] : memref<200x16384xi32, #tpu.memory_space<hbm>> -> memref<8x512xi32, #tpu.memory_space<hbm>>
    tpu.enqueue_dma source(%dma_start3A_129 : memref<8x512xi32, #tpu.memory_space<hbm>>) target(%arg16 : memref<8x512xi32, #tpu.memory_space<vmem>>) target_semaphore(%arg20 : memref<!tpu.dma_semaphore, #tpu.memory_space<semaphore_mem>>)
    %dma_wait3A = arith.constant 0 : i32
    %dma_wait3A_130 = tpu.memref_slice %arg2[%dma_wait3A] : memref<1280xf32, #tpu.memory_space<hbm>> -> memref<128xf32, #tpu.memory_space<hbm>>
    %dma_wait3A_131 = arith.constant 0 : i32
    %dma_wait3A_132 = tpu.memref_slice %arg2[%dma_wait3A_131] : memref<1280xf32, #tpu.memory_space<hbm>> -> memref<128xf32, #tpu.memory_space<hbm>>
    tpu.wait_dma2 semaphore(%arg23 : memref<!tpu.dma_semaphore, #tpu.memory_space<semaphore_mem>>) src(%dma_wait3A_132 : memref<128xf32, #tpu.memory_space<hbm>>) dst(%arg5 : memref<128xf32, #tpu.memory_space<vmem>>)
    %dma_wait3A_133 = arith.constant 128 : i32
    %dma_wait3A_134 = tpu.memref_slice %arg2[%dma_wait3A_133] : memref<1280xf32, #tpu.memory_space<hbm>> -> memref<128xf32, #tpu.memory_space<hbm>>
    %dma_wait3A_135 = arith.constant 128 : i32
    %dma_wait3A_136 = tpu.memref_slice %arg2[%dma_wait3A_135] : memref<1280xf32, #tpu.memory_space<hbm>> -> memref<128xf32, #tpu.memory_space<hbm>>
    tpu.wait_dma2 semaphore(%arg23 : memref<!tpu.dma_semaphore, #tpu.memory_space<semaphore_mem>>) src(%dma_wait3A_136 : memref<128xf32, #tpu.memory_space<hbm>>) dst(%arg6 : memref<128xf32, #tpu.memory_space<vmem>>)
    %dma_wait3A_137 = arith.constant 256 : i32
    %dma_wait3A_138 = tpu.memref_slice %arg2[%dma_wait3A_137] : memref<1280xf32, #tpu.memory_space<hbm>> -> memref<128xf32, #tpu.memory_space<hbm>>
    %dma_wait3A_139 = arith.constant 256 : i32
    %dma_wait3A_140 = tpu.memref_slice %arg2[%dma_wait3A_139] : memref<1280xf32, #tpu.memory_space<hbm>> -> memref<128xf32, #tpu.memory_space<hbm>>
    tpu.wait_dma2 semaphore(%arg23 : memref<!tpu.dma_semaphore, #tpu.memory_space<semaphore_mem>>) src(%dma_wait3A_140 : memref<128xf32, #tpu.memory_space<hbm>>) dst(%arg7 : memref<128xf32, #tpu.memory_space<vmem>>)
    %dma_wait3A_141 = arith.constant 384 : i32
    %dma_wait3A_142 = tpu.memref_slice %arg2[%dma_wait3A_141] : memref<1280xf32, #tpu.memory_space<hbm>> -> memref<128xf32, #tpu.memory_space<hbm>>
    %dma_wait3A_143 = arith.constant 384 : i32
    %dma_wait3A_144 = tpu.memref_slice %arg2[%dma_wait3A_143] : memref<1280xf32, #tpu.memory_space<hbm>> -> memref<128xf32, #tpu.memory_space<hbm>>
    tpu.wait_dma2 semaphore(%arg23 : memref<!tpu.dma_semaphore, #tpu.memory_space<semaphore_mem>>) src(%dma_wait3A_144 : memref<128xf32, #tpu.memory_space<hbm>>) dst(%arg8 : memref<128xf32, #tpu.memory_space<vmem>>)
    %dma_wait3A_145 = arith.constant 512 : i32
    %dma_wait3A_146 = tpu.memref_slice %arg2[%dma_wait3A_145] : memref<1280xf32, #tpu.memory_space<hbm>> -> memref<128xf32, #tpu.memory_space<hbm>>
    %dma_wait3A_147 = arith.constant 512 : i32
    %dma_wait3A_148 = tpu.memref_slice %arg2[%dma_wait3A_147] : memref<1280xf32, #tpu.memory_space<hbm>> -> memref<128xf32, #tpu.memory_space<hbm>>
    tpu.wait_dma2 semaphore(%arg23 : memref<!tpu.dma_semaphore, #tpu.memory_space<semaphore_mem>>) src(%dma_wait3A_148 : memref<128xf32, #tpu.memory_space<hbm>>) dst(%arg9 : memref<128xf32, #tpu.memory_space<vmem>>)
    %dma_wait3A_149 = arith.constant 640 : i32
    %dma_wait3A_150 = tpu.memref_slice %arg2[%dma_wait3A_149] : memref<1280xf32, #tpu.memory_space<hbm>> -> memref<128xf32, #tpu.memory_space<hbm>>
    %dma_wait3A_151 = arith.constant 640 : i32
    %dma_wait3A_152 = tpu.memref_slice %arg2[%dma_wait3A_151] : memref<1280xf32, #tpu.memory_space<hbm>> -> memref<128xf32, #tpu.memory_space<hbm>>
    tpu.wait_dma2 semaphore(%arg23 : memref<!tpu.dma_semaphore, #tpu.memory_space<semaphore_mem>>) src(%dma_wait3A_152 : memref<128xf32, #tpu.memory_space<hbm>>) dst(%arg10 : memref<128xf32, #tpu.memory_space<vmem>>)
    %dma_wait3A_153 = arith.constant 768 : i32
    %dma_wait3A_154 = tpu.memref_slice %arg2[%dma_wait3A_153] : memref<1280xf32, #tpu.memory_space<hbm>> -> memref<128xf32, #tpu.memory_space<hbm>>
    %dma_wait3A_155 = arith.constant 768 : i32
    %dma_wait3A_156 = tpu.memref_slice %arg2[%dma_wait3A_155] : memref<1280xf32, #tpu.memory_space<hbm>> -> memref<128xf32, #tpu.memory_space<hbm>>
    tpu.wait_dma2 semaphore(%arg23 : memref<!tpu.dma_semaphore, #tpu.memory_space<semaphore_mem>>) src(%dma_wait3A_156 : memref<128xf32, #tpu.memory_space<hbm>>) dst(%arg11 : memref<128xf32, #tpu.memory_space<vmem>>)
    %dma_wait3A_157 = arith.constant 896 : i32
    %dma_wait3A_158 = tpu.memref_slice %arg2[%dma_wait3A_157] : memref<1280xf32, #tpu.memory_space<hbm>> -> memref<128xf32, #tpu.memory_space<hbm>>
    %dma_wait3A_159 = arith.constant 896 : i32
    %dma_wait3A_160 = tpu.memref_slice %arg2[%dma_wait3A_159] : memref<1280xf32, #tpu.memory_space<hbm>> -> memref<128xf32, #tpu.memory_space<hbm>>
    tpu.wait_dma2 semaphore(%arg23 : memref<!tpu.dma_semaphore, #tpu.memory_space<semaphore_mem>>) src(%dma_wait3A_160 : memref<128xf32, #tpu.memory_space<hbm>>) dst(%arg12 : memref<128xf32, #tpu.memory_space<vmem>>)
    %dma_wait3A_161 = arith.constant 1024 : i32
    %dma_wait3A_162 = tpu.memref_slice %arg2[%dma_wait3A_161] : memref<1280xf32, #tpu.memory_space<hbm>> -> memref<128xf32, #tpu.memory_space<hbm>>
    %dma_wait3A_163 = arith.constant 1024 : i32
    %dma_wait3A_164 = tpu.memref_slice %arg2[%dma_wait3A_163] : memref<1280xf32, #tpu.memory_space<hbm>> -> memref<128xf32, #tpu.memory_space<hbm>>
    tpu.wait_dma2 semaphore(%arg23 : memref<!tpu.dma_semaphore, #tpu.memory_space<semaphore_mem>>) src(%dma_wait3A_164 : memref<128xf32, #tpu.memory_space<hbm>>) dst(%arg13 : memref<128xf32, #tpu.memory_space<vmem>>)
    %dma_wait3A_165 = arith.constant 1152 : i32
    %dma_wait3A_166 = tpu.memref_slice %arg2[%dma_wait3A_165] : memref<1280xf32, #tpu.memory_space<hbm>> -> memref<128xf32, #tpu.memory_space<hbm>>
    %dma_wait3A_167 = arith.constant 1152 : i32
    %dma_wait3A_168 = tpu.memref_slice %arg2[%dma_wait3A_167] : memref<1280xf32, #tpu.memory_space<hbm>> -> memref<128xf32, #tpu.memory_space<hbm>>
    tpu.wait_dma2 semaphore(%arg23 : memref<!tpu.dma_semaphore, #tpu.memory_space<semaphore_mem>>) src(%dma_wait3A_168 : memref<128xf32, #tpu.memory_space<hbm>>) dst(%arg14 : memref<128xf32, #tpu.memory_space<vmem>>)
    %scan3A = arith.constant 0 : i32
    %scan3A_169 = arith.constant 0 : i32
    %scan3A_170 = arith.constant 12 : i32
    %scan3A_171 = arith.addi %scan3A_169, %scan3A_170 : i32
    %scan3A_172 = arith.constant 1 : i32
    scf.for %scan3A_434 = %scan3A_169 to %scan3A_171 step %scan3A_172  : i32 {
      %mul3A_435 = arith.constant 2 : i32
      %mul3A_436 = arith.muli %scan3A_434, %mul3A_435 : i32
      %mul3A_437 = arith.constant 25 : i32
      %mul3A_438 = arith.muli %add3A, %mul3A_437 : i32
      %add3A_439 = arith.addi %mul3A_438, %mul3A_436 : i32
      %jit3A_440 = arith.constant 32 : i32
      %div3A_441 = arith.divsi %add3A_439, %jit3A_440 : i32
      %sign3A_442 = arith.constant 0 : i32
      %sign3A_443 = arith.cmpi sgt, %add3A_439, %sign3A_442 : i32
      %sign3A_444 = arith.extui %sign3A_443 : i1 to i32
      %sign3A_445 = arith.constant 0 : i32
      %sign3A_446 = arith.cmpi slt, %add3A_439, %sign3A_445 : i32
      %sign3A_447 = arith.extui %sign3A_446 : i1 to i32
      %sign3A_448 = arith.subi %sign3A_444, %sign3A_447 : i32
      %sign3A_449 = arith.constant 0 : i32
      %sign3A_450 = arith.cmpi sgt, %jit3A_440, %sign3A_449 : i32
      %sign3A_451 = arith.extui %sign3A_450 : i1 to i32
      %sign3A_452 = arith.constant 0 : i32
      %sign3A_453 = arith.cmpi slt, %jit3A_440, %sign3A_452 : i32
      %sign3A_454 = arith.extui %sign3A_453 : i1 to i32
      %sign3A_455 = arith.subi %sign3A_451, %sign3A_454 : i32
      %ne3A_456 = arith.cmpi ne, %sign3A_448, %sign3A_455 : i32
      %rem3A_457 = arith.remsi %add3A_439, %jit3A_440 : i32
      %ne3A_458 = arith.constant 0 : i32
      %ne3A_459 = arith.cmpi ne, %rem3A_457, %ne3A_458 : i32
      %and3A_460 = arith.andi %ne3A_456, %ne3A_459 : i1
      %sub3A_461 = arith.constant 1 : i32
      %sub3A_462 = arith.subi %div3A_441, %sub3A_461 : i32
      %select_n3A_463 = arith.select %and3A_460, %sub3A_462, %div3A_441 : i32
      %jit3A_464 = arith.constant 32 : i32
      %eq3A_465 = arith.constant 0 : i32
      %eq3A_466 = arith.cmpi eq, %jit3A_464, %eq3A_465 : i32
      %jit3A_467 = arith.constant 1 : i32
      %select_n3A_468 = arith.select %eq3A_466, %jit3A_467, %jit3A_464 : i32
      %rem3A_469 = arith.remsi %add3A_439, %select_n3A_468 : i32
      %ne3A_470 = arith.constant 0 : i32
      %ne3A_471 = arith.cmpi ne, %rem3A_469, %ne3A_470 : i32
      %lt3A_472 = arith.constant 0 : i32
      %lt3A_473 = arith.cmpi slt, %rem3A_469, %lt3A_472 : i32
      %lt3A_474 = arith.constant 0 : i32
      %lt3A_475 = arith.cmpi slt, %select_n3A_468, %lt3A_474 : i32
      %ne3A_476 = arith.xori %lt3A_473, %lt3A_475 : i1
      %and3A_477 = arith.andi %ne3A_476, %ne3A_471 : i1
      %add3A_478 = arith.addi %rem3A_469, %select_n3A_468 : i32
      %select_n3A_479 = arith.select %and3A_477, %add3A_478, %rem3A_469 : i32
      %mul3A_480 = arith.constant 8 : i32
      %mul3A_481 = arith.muli %select_n3A_463, %mul3A_480 : i32
      %mul3A_482 = arith.constant 512 : i32
      %mul3A_483 = arith.muli %select_n3A_479, %mul3A_482 : i32
      %dma_wait3A_484 = tpu.memref_slice %arg3[%mul3A_481, %mul3A_483] : memref<200x16384xi32, #tpu.memory_space<hbm>> -> memref<8x512xi32, #tpu.memory_space<hbm>>
      %dma_wait3A_485 = tpu.memref_slice %arg3[%mul3A_481, %mul3A_483] : memref<200x16384xi32, #tpu.memory_space<hbm>> -> memref<8x512xi32, #tpu.memory_space<hbm>>
      tpu.wait_dma2 semaphore(%arg19 : memref<!tpu.dma_semaphore, #tpu.memory_space<semaphore_mem>>) src(%dma_wait3A_485 : memref<8x512xi32, #tpu.memory_space<hbm>>) dst(%arg15 : memref<8x512xi32, #tpu.memory_space<vmem>>)
      %ge3A = arith.constant 2 : i32
      %ge3A_486 = arith.cmpi sge, %mul3A_436, %ge3A : i32
      %convert_element_type3A = arith.extui %ge3A_486 : i1 to i32
      %cond3A = arith.constant 0 : i32
      %cond3A_487 = arith.cmpi ne, %convert_element_type3A, %cond3A : i32
      scf.if %cond3A_487 {
        %sub3A_668 = arith.constant 2 : i32
        %sub3A_669 = arith.subi %mul3A_436, %sub3A_668 : i32
        %mul3A_670 = arith.constant 25 : i32
        %mul3A_671 = arith.muli %add3A, %mul3A_670 : i32
        %add3A_672 = arith.addi %mul3A_671, %sub3A_669 : i32
        %jit3A_673 = arith.constant 32 : i32
        %div3A_674 = arith.divsi %add3A_672, %jit3A_673 : i32
        %sign3A_675 = arith.constant 0 : i32
        %sign3A_676 = arith.cmpi sgt, %add3A_672, %sign3A_675 : i32
        %sign3A_677 = arith.extui %sign3A_676 : i1 to i32
        %sign3A_678 = arith.constant 0 : i32
        %sign3A_679 = arith.cmpi slt, %add3A_672, %sign3A_678 : i32
        %sign3A_680 = arith.extui %sign3A_679 : i1 to i32
        %sign3A_681 = arith.subi %sign3A_677, %sign3A_680 : i32
        %sign3A_682 = arith.constant 0 : i32
        %sign3A_683 = arith.cmpi sgt, %jit3A_673, %sign3A_682 : i32
        %sign3A_684 = arith.extui %sign3A_683 : i1 to i32
        %sign3A_685 = arith.constant 0 : i32
        %sign3A_686 = arith.cmpi slt, %jit3A_673, %sign3A_685 : i32
        %sign3A_687 = arith.extui %sign3A_686 : i1 to i32
        %sign3A_688 = arith.subi %sign3A_684, %sign3A_687 : i32
        %ne3A_689 = arith.cmpi ne, %sign3A_681, %sign3A_688 : i32
        %rem3A_690 = arith.remsi %add3A_672, %jit3A_673 : i32
        %ne3A_691 = arith.constant 0 : i32
        %ne3A_692 = arith.cmpi ne, %rem3A_690, %ne3A_691 : i32
        %and3A_693 = arith.andi %ne3A_689, %ne3A_692 : i1
        %sub3A_694 = arith.constant 1 : i32
        %sub3A_695 = arith.subi %div3A_674, %sub3A_694 : i32
        %select_n3A_696 = arith.select %and3A_693, %sub3A_695, %div3A_674 : i32
        %jit3A_697 = arith.constant 32 : i32
        %eq3A_698 = arith.constant 0 : i32
        %eq3A_699 = arith.cmpi eq, %jit3A_697, %eq3A_698 : i32
        %jit3A_700 = arith.constant 1 : i32
        %select_n3A_701 = arith.select %eq3A_699, %jit3A_700, %jit3A_697 : i32
        %rem3A_702 = arith.remsi %add3A_672, %select_n3A_701 : i32
        %ne3A_703 = arith.constant 0 : i32
        %ne3A_704 = arith.cmpi ne, %rem3A_702, %ne3A_703 : i32
        %lt3A_705 = arith.constant 0 : i32
        %lt3A_706 = arith.cmpi slt, %rem3A_702, %lt3A_705 : i32
        %lt3A_707 = arith.constant 0 : i32
        %lt3A_708 = arith.cmpi slt, %select_n3A_701, %lt3A_707 : i32
        %ne3A_709 = arith.xori %lt3A_706, %lt3A_708 : i1
        %and3A_710 = arith.andi %ne3A_709, %ne3A_704 : i1
        %add3A_711 = arith.addi %rem3A_702, %select_n3A_701 : i32
        %select_n3A_712 = arith.select %and3A_710, %add3A_711, %rem3A_702 : i32
        %mul3A_713 = arith.constant 8 : i32
        %mul3A_714 = arith.muli %select_n3A_696, %mul3A_713 : i32
        %mul3A_715 = arith.constant 512 : i32
        %mul3A_716 = arith.muli %select_n3A_712, %mul3A_715 : i32
        %dma_wait3A_717 = arith.constant 0 : i32
        %dma_wait3A_718 = tpu.memref_slice %arg4[%dma_wait3A_717, %mul3A_714, %mul3A_716] : memref<10x200x16384xf32, #tpu.memory_space<hbm>> -> memref<10x8x512xf32, #tpu.memory_space<hbm>>
        %dma_wait3A_719 = arith.constant 0 : i32
        %dma_wait3A_720 = tpu.memref_slice %arg4[%dma_wait3A_719, %mul3A_714, %mul3A_716] : memref<10x200x16384xf32, #tpu.memory_space<hbm>> -> memref<10x8x512xf32, #tpu.memory_space<hbm>>
        tpu.wait_dma2 semaphore(%arg21 : memref<!tpu.dma_semaphore, #tpu.memory_space<semaphore_mem>>) src(%arg17 : memref<10x8x512xf32, #tpu.memory_space<vmem>>) dst(%dma_wait3A_720 : memref<10x8x512xf32, #tpu.memory_space<hbm>>)
      } else {
      }
      %parallel_loop3A_488 = arith.constant 0 : i32
      %parallel_loop3A_489 = arith.constant 256 : i32
      %parallel_loop3A_490 = arith.constant 1 : i32
      scf.for %parallel_loop3A_668 = %parallel_loop3A_488 to %parallel_loop3A_489 step %parallel_loop3A_490  : i32 {
        %parallel_loop3A_669 = arith.constant 32 : i32
        %parallel_loop3A_670 = arith.divsi %parallel_loop3A_668, %parallel_loop3A_669 : i32
        %parallel_loop3A_671 = arith.constant 0 : i32
        %parallel_loop3A_672 = arith.cmpi sgt, %parallel_loop3A_668, %parallel_loop3A_671 : i32
        %parallel_loop3A_673 = arith.extui %parallel_loop3A_672 : i1 to i32
        %parallel_loop3A_674 = arith.constant 0 : i32
        %parallel_loop3A_675 = arith.cmpi slt, %parallel_loop3A_668, %parallel_loop3A_674 : i32
        %parallel_loop3A_676 = arith.extui %parallel_loop3A_675 : i1 to i32
        %parallel_loop3A_677 = arith.subi %parallel_loop3A_673, %parallel_loop3A_676 : i32
        %parallel_loop3A_678 = arith.constant 0 : i32
        %parallel_loop3A_679 = arith.cmpi sgt, %parallel_loop3A_669, %parallel_loop3A_678 : i32
        %parallel_loop3A_680 = arith.extui %parallel_loop3A_679 : i1 to i32
        %parallel_loop3A_681 = arith.constant 0 : i32
        %parallel_loop3A_682 = arith.cmpi slt, %parallel_loop3A_669, %parallel_loop3A_681 : i32
        %parallel_loop3A_683 = arith.extui %parallel_loop3A_682 : i1 to i32
        %parallel_loop3A_684 = arith.subi %parallel_loop3A_680, %parallel_loop3A_683 : i32
        %parallel_loop3A_685 = arith.cmpi ne, %parallel_loop3A_677, %parallel_loop3A_684 : i32
        %parallel_loop3A_686 = arith.remsi %parallel_loop3A_668, %parallel_loop3A_669 : i32
        %parallel_loop3A_687 = arith.constant 0 : i32
        %parallel_loop3A_688 = arith.cmpi ne, %parallel_loop3A_686, %parallel_loop3A_687 : i32
        %parallel_loop3A_689 = arith.andi %parallel_loop3A_685, %parallel_loop3A_688 : i1
        %parallel_loop3A_690 = arith.constant 1 : i32
        %parallel_loop3A_691 = arith.subi %parallel_loop3A_670, %parallel_loop3A_690 : i32
        %parallel_loop3A_692 = arith.select %parallel_loop3A_689, %parallel_loop3A_691, %parallel_loop3A_670 : i32
        %parallel_loop3A_693 = arith.constant 32 : i32
        %parallel_loop3A_694 = arith.constant 0 : i32
        %parallel_loop3A_695 = arith.cmpi eq, %parallel_loop3A_693, %parallel_loop3A_694 : i32
        %parallel_loop3A_696 = arith.constant 1 : i32
        %parallel_loop3A_697 = arith.select %parallel_loop3A_695, %parallel_loop3A_696, %parallel_loop3A_693 : i32
        %parallel_loop3A_698 = arith.remsi %parallel_loop3A_668, %parallel_loop3A_697 : i32
        %parallel_loop3A_699 = arith.constant 0 : i32
        %parallel_loop3A_700 = arith.cmpi ne, %parallel_loop3A_698, %parallel_loop3A_699 : i32
        %parallel_loop3A_701 = arith.constant 0 : i32
        %parallel_loop3A_702 = arith.cmpi slt, %parallel_loop3A_698, %parallel_loop3A_701 : i32
        %parallel_loop3A_703 = arith.constant 0 : i32
        %parallel_loop3A_704 = arith.cmpi slt, %parallel_loop3A_697, %parallel_loop3A_703 : i32
        %parallel_loop3A_705 = arith.xori %parallel_loop3A_702, %parallel_loop3A_704 : i1
        %parallel_loop3A_706 = arith.andi %parallel_loop3A_705, %parallel_loop3A_700 : i1
        %parallel_loop3A_707 = arith.addi %parallel_loop3A_698, %parallel_loop3A_697 : i32
        %parallel_loop3A_708 = arith.select %parallel_loop3A_706, %parallel_loop3A_707, %parallel_loop3A_698 : i32
        %parallel_loop3A_709 = arith.constant 16 : i32
        %parallel_loop3A_710 = arith.muli %parallel_loop3A_708, %parallel_loop3A_709 : i32
        %parallel_loop3A_711 = arith.index_cast %parallel_loop3A_692 : i32 to index
        %parallel_loop3A_712 = arith.index_cast %parallel_loop3A_710 : i32 to index
        %parallel_loop3A_713 = tpu.vector_load %arg15[%parallel_loop3A_711, %parallel_loop3A_712] {strides = array<i32>} : memref<8x512xi32, #tpu.memory_space<vmem>>, vector<16xi32>,
        %parallel_loop3A_714 = tpu.vector_load_idx %arg5[%parallel_loop3A_713] : memref<128xf32, #tpu.memory_space<vmem>>[vector<16xi32>], vector<16xf32>,
        %parallel_loop3A_715 = arith.constant 0 : i32
        %parallel_loop3A_716 = arith.index_cast %parallel_loop3A_715 : i32 to index
        %parallel_loop3A_717 = arith.index_cast %parallel_loop3A_692 : i32 to index
        %parallel_loop3A_718 = arith.index_cast %parallel_loop3A_710 : i32 to index
        %parallel_loop3A_719 = tpu.vector_load %arg17[%parallel_loop3A_716, %parallel_loop3A_717, %parallel_loop3A_718] {strides = array<i32>} : memref<10x8x512xf32, #tpu.memory_space<vmem>>, vector<16xf32>,
        tpu.vector_store %arg17[%parallel_loop3A_716, %parallel_loop3A_717, %parallel_loop3A_718], %parallel_loop3A_714 {strides = array<i32>} : memref<10x8x512xf32, #tpu.memory_space<vmem>>, vector<16xf32>,
        %parallel_loop3A_720 = tpu.vector_load_idx %arg6[%parallel_loop3A_713] : memref<128xf32, #tpu.memory_space<vmem>>[vector<16xi32>], vector<16xf32>,
        %parallel_loop3A_721 = arith.constant 1 : i32
        %parallel_loop3A_722 = arith.index_cast %parallel_loop3A_721 : i32 to index
        %parallel_loop3A_723 = arith.index_cast %parallel_loop3A_692 : i32 to index
        %parallel_loop3A_724 = arith.index_cast %parallel_loop3A_710 : i32 to index
        %parallel_loop3A_725 = tpu.vector_load %arg17[%parallel_loop3A_722, %parallel_loop3A_723, %parallel_loop3A_724] {strides = array<i32>} : memref<10x8x512xf32, #tpu.memory_space<vmem>>, vector<16xf32>,
        tpu.vector_store %arg17[%parallel_loop3A_722, %parallel_loop3A_723, %parallel_loop3A_724], %parallel_loop3A_720 {strides = array<i32>} : memref<10x8x512xf32, #tpu.memory_space<vmem>>, vector<16xf32>,
        %parallel_loop3A_726 = tpu.vector_load_idx %arg7[%parallel_loop3A_713] : memref<128xf32, #tpu.memory_space<vmem>>[vector<16xi32>], vector<16xf32>,
        %parallel_loop3A_727 = arith.constant 2 : i32
        %parallel_loop3A_728 = arith.index_cast %parallel_loop3A_727 : i32 to index
        %parallel_loop3A_729 = arith.index_cast %parallel_loop3A_692 : i32 to index
        %parallel_loop3A_730 = arith.index_cast %parallel_loop3A_710 : i32 to index
        %parallel_loop3A_731 = tpu.vector_load %arg17[%parallel_loop3A_728, %parallel_loop3A_729, %parallel_loop3A_730] {strides = array<i32>} : memref<10x8x512xf32, #tpu.memory_space<vmem>>, vector<16xf32>,
        tpu.vector_store %arg17[%parallel_loop3A_728, %parallel_loop3A_729, %parallel_loop3A_730], %parallel_loop3A_726 {strides = array<i32>} : memref<10x8x512xf32, #tpu.memory_space<vmem>>, vector<16xf32>,
        %parallel_loop3A_732 = tpu.vector_load_idx %arg8[%parallel_loop3A_713] : memref<128xf32, #tpu.memory_space<vmem>>[vector<16xi32>], vector<16xf32>,
        %parallel_loop3A_733 = arith.constant 3 : i32
        %parallel_loop3A_734 = arith.index_cast %parallel_loop3A_733 : i32 to index
        %parallel_loop3A_735 = arith.index_cast %parallel_loop3A_692 : i32 to index
        %parallel_loop3A_736 = arith.index_cast %parallel_loop3A_710 : i32 to index
        %parallel_loop3A_737 = tpu.vector_load %arg17[%parallel_loop3A_734, %parallel_loop3A_735, %parallel_loop3A_736] {strides = array<i32>} : memref<10x8x512xf32, #tpu.memory_space<vmem>>, vector<16xf32>,
        tpu.vector_store %arg17[%parallel_loop3A_734, %parallel_loop3A_735, %parallel_loop3A_736], %parallel_loop3A_732 {strides = array<i32>} : memref<10x8x512xf32, #tpu.memory_space<vmem>>, vector<16xf32>,
        %parallel_loop3A_738 = tpu.vector_load_idx %arg9[%parallel_loop3A_713] : memref<128xf32, #tpu.memory_space<vmem>>[vector<16xi32>], vector<16xf32>,
        %parallel_loop3A_739 = arith.constant 4 : i32
        %parallel_loop3A_740 = arith.index_cast %parallel_loop3A_739 : i32 to index
        %parallel_loop3A_741 = arith.index_cast %parallel_loop3A_692 : i32 to index
        %parallel_loop3A_742 = arith.index_cast %parallel_loop3A_710 : i32 to index
        %parallel_loop3A_743 = tpu.vector_load %arg17[%parallel_loop3A_740, %parallel_loop3A_741, %parallel_loop3A_742] {strides = array<i32>} : memref<10x8x512xf32, #tpu.memory_space<vmem>>, vector<16xf32>,
        tpu.vector_store %arg17[%parallel_loop3A_740, %parallel_loop3A_741, %parallel_loop3A_742], %parallel_loop3A_738 {strides = array<i32>} : memref<10x8x512xf32, #tpu.memory_space<vmem>>, vector<16xf32>,
        %parallel_loop3A_744 = tpu.vector_load_idx %arg10[%parallel_loop3A_713] : memref<128xf32, #tpu.memory_space<vmem>>[vector<16xi32>], vector<16xf32>,
        %parallel_loop3A_745 = arith.constant 5 : i32
        %parallel_loop3A_746 = arith.index_cast %parallel_loop3A_745 : i32 to index
        %parallel_loop3A_747 = arith.index_cast %parallel_loop3A_692 : i32 to index
        %parallel_loop3A_748 = arith.index_cast %parallel_loop3A_710 : i32 to index
        %parallel_loop3A_749 = tpu.vector_load %arg17[%parallel_loop3A_746, %parallel_loop3A_747, %parallel_loop3A_748] {strides = array<i32>} : memref<10x8x512xf32, #tpu.memory_space<vmem>>, vector<16xf32>,
        tpu.vector_store %arg17[%parallel_loop3A_746, %parallel_loop3A_747, %parallel_loop3A_748], %parallel_loop3A_744 {strides = array<i32>} : memref<10x8x512xf32, #tpu.memory_space<vmem>>, vector<16xf32>,
        %parallel_loop3A_750 = tpu.vector_load_idx %arg11[%parallel_loop3A_713] : memref<128xf32, #tpu.memory_space<vmem>>[vector<16xi32>], vector<16xf32>,
        %parallel_loop3A_751 = arith.constant 6 : i32
        %parallel_loop3A_752 = arith.index_cast %parallel_loop3A_751 : i32 to index
        %parallel_loop3A_753 = arith.index_cast %parallel_loop3A_692 : i32 to index
        %parallel_loop3A_754 = arith.index_cast %parallel_loop3A_710 : i32 to index
        %parallel_loop3A_755 = tpu.vector_load %arg17[%parallel_loop3A_752, %parallel_loop3A_753, %parallel_loop3A_754] {strides = array<i32>} : memref<10x8x512xf32, #tpu.memory_space<vmem>>, vector<16xf32>,
        tpu.vector_store %arg17[%parallel_loop3A_752, %parallel_loop3A_753, %parallel_loop3A_754], %parallel_loop3A_750 {strides = array<i32>} : memref<10x8x512xf32, #tpu.memory_space<vmem>>, vector<16xf32>,
        %parallel_loop3A_756 = tpu.vector_load_idx %arg12[%parallel_loop3A_713] : memref<128xf32, #tpu.memory_space<vmem>>[vector<16xi32>], vector<16xf32>,
        %parallel_loop3A_757 = arith.constant 7 : i32
        %parallel_loop3A_758 = arith.index_cast %parallel_loop3A_757 : i32 to index
        %parallel_loop3A_759 = arith.index_cast %parallel_loop3A_692 : i32 to index
        %parallel_loop3A_760 = arith.index_cast %parallel_loop3A_710 : i32 to index
        %parallel_loop3A_761 = tpu.vector_load %arg17[%parallel_loop3A_758, %parallel_loop3A_759, %parallel_loop3A_760] {strides = array<i32>} : memref<10x8x512xf32, #tpu.memory_space<vmem>>, vector<16xf32>,
        tpu.vector_store %arg17[%parallel_loop3A_758, %parallel_loop3A_759, %parallel_loop3A_760], %parallel_loop3A_756 {strides = array<i32>} : memref<10x8x512xf32, #tpu.memory_space<vmem>>, vector<16xf32>,
        %parallel_loop3A_762 = tpu.vector_load_idx %arg13[%parallel_loop3A_713] : memref<128xf32, #tpu.memory_space<vmem>>[vector<16xi32>], vector<16xf32>,
        %parallel_loop3A_763 = arith.constant 8 : i32
        %parallel_loop3A_764 = arith.index_cast %parallel_loop3A_763 : i32 to index
        %parallel_loop3A_765 = arith.index_cast %parallel_loop3A_692 : i32 to index
        %parallel_loop3A_766 = arith.index_cast %parallel_loop3A_710 : i32 to index
        %parallel_loop3A_767 = tpu.vector_load %arg17[%parallel_loop3A_764, %parallel_loop3A_765, %parallel_loop3A_766] {strides = array<i32>} : memref<10x8x512xf32, #tpu.memory_space<vmem>>, vector<16xf32>,
        tpu.vector_store %arg17[%parallel_loop3A_764, %parallel_loop3A_765, %parallel_loop3A_766], %parallel_loop3A_762 {strides = array<i32>} : memref<10x8x512xf32, #tpu.memory_space<vmem>>, vector<16xf32>,
        %parallel_loop3A_768 = tpu.vector_load_idx %arg14[%parallel_loop3A_713] : memref<128xf32, #tpu.memory_space<vmem>>[vector<16xi32>], vector<16xf32>,
        %parallel_loop3A_769 = arith.constant 9 : i32
        %parallel_loop3A_770 = arith.index_cast %parallel_loop3A_769 : i32 to index
        %parallel_loop3A_771 = arith.index_cast %parallel_loop3A_692 : i32 to index
        %parallel_loop3A_772 = arith.index_cast %parallel_loop3A_710 : i32 to index
        %parallel_loop3A_773 = tpu.vector_load %arg17[%parallel_loop3A_770, %parallel_loop3A_771, %parallel_loop3A_772] {strides = array<i32>} : memref<10x8x512xf32, #tpu.memory_space<vmem>>, vector<16xf32>,
        tpu.vector_store %arg17[%parallel_loop3A_770, %parallel_loop3A_771, %parallel_loop3A_772], %parallel_loop3A_768 {strides = array<i32>} : memref<10x8x512xf32, #tpu.memory_space<vmem>>, vector<16xf32>,
      } {sc.loop_unroll_factor = 4 : i64, sc.parallel_access}
      %mul3A_491 = arith.constant 25 : i32
      %mul3A_492 = arith.muli %add3A, %mul3A_491 : i32
      %add3A_493 = arith.addi %mul3A_492, %mul3A_436 : i32
      %jit3A_494 = arith.constant 32 : i32
      %div3A_495 = arith.divsi %add3A_493, %jit3A_494 : i32
      %sign3A_496 = arith.constant 0 : i32
      %sign3A_497 = arith.cmpi sgt, %add3A_493, %sign3A_496 : i32
      %sign3A_498 = arith.extui %sign3A_497 : i1 to i32
      %sign3A_499 = arith.constant 0 : i32
      %sign3A_500 = arith.cmpi slt, %add3A_493, %sign3A_499 : i32
      %sign3A_501 = arith.extui %sign3A_500 : i1 to i32
      %sign3A_502 = arith.subi %sign3A_498, %sign3A_501 : i32
      %sign3A_503 = arith.constant 0 : i32
      %sign3A_504 = arith.cmpi sgt, %jit3A_494, %sign3A_503 : i32
      %sign3A_505 = arith.extui %sign3A_504 : i1 to i32
      %sign3A_506 = arith.constant 0 : i32
      %sign3A_507 = arith.cmpi slt, %jit3A_494, %sign3A_506 : i32
      %sign3A_508 = arith.extui %sign3A_507 : i1 to i32
      %sign3A_509 = arith.subi %sign3A_505, %sign3A_508 : i32
      %ne3A_510 = arith.cmpi ne, %sign3A_502, %sign3A_509 : i32
      %rem3A_511 = arith.remsi %add3A_493, %jit3A_494 : i32
      %ne3A_512 = arith.constant 0 : i32
      %ne3A_513 = arith.cmpi ne, %rem3A_511, %ne3A_512 : i32
      %and3A_514 = arith.andi %ne3A_510, %ne3A_513 : i1
      %sub3A_515 = arith.constant 1 : i32
      %sub3A_516 = arith.subi %div3A_495, %sub3A_515 : i32
      %select_n3A_517 = arith.select %and3A_514, %sub3A_516, %div3A_495 : i32
      %jit3A_518 = arith.constant 32 : i32
      %eq3A_519 = arith.constant 0 : i32
      %eq3A_520 = arith.cmpi eq, %jit3A_518, %eq3A_519 : i32
      %jit3A_521 = arith.constant 1 : i32
      %select_n3A_522 = arith.select %eq3A_520, %jit3A_521, %jit3A_518 : i32
      %rem3A_523 = arith.remsi %add3A_493, %select_n3A_522 : i32
      %ne3A_524 = arith.constant 0 : i32
      %ne3A_525 = arith.cmpi ne, %rem3A_523, %ne3A_524 : i32
      %lt3A_526 = arith.constant 0 : i32
      %lt3A_527 = arith.cmpi slt, %rem3A_523, %lt3A_526 : i32
      %lt3A_528 = arith.constant 0 : i32
      %lt3A_529 = arith.cmpi slt, %select_n3A_522, %lt3A_528 : i32
      %ne3A_530 = arith.xori %lt3A_527, %lt3A_529 : i1
      %and3A_531 = arith.andi %ne3A_530, %ne3A_525 : i1
      %add3A_532 = arith.addi %rem3A_523, %select_n3A_522 : i32
      %select_n3A_533 = arith.select %and3A_531, %add3A_532, %rem3A_523 : i32
      %mul3A_534 = arith.constant 8 : i32
      %mul3A_535 = arith.muli %select_n3A_517, %mul3A_534 : i32
      %mul3A_536 = arith.constant 512 : i32
      %mul3A_537 = arith.muli %select_n3A_533, %mul3A_536 : i32
      %dma_start3A_538 = arith.constant 0 : i32
      %dma_start3A_539 = tpu.memref_slice %arg4[%dma_start3A_538, %mul3A_535, %mul3A_537] : memref<10x200x16384xf32, #tpu.memory_space<hbm>> -> memref<10x8x512xf32, #tpu.memory_space<hbm>>
      %dma_start3A_540 = arith.constant 0 : i32
      %dma_start3A_541 = tpu.memref_slice %arg4[%dma_start3A_540, %mul3A_535, %mul3A_537] : memref<10x200x16384xf32, #tpu.memory_space<hbm>> -> memref<10x8x512xf32, #tpu.memory_space<hbm>>
      tpu.enqueue_dma source(%arg17 : memref<10x8x512xf32, #tpu.memory_space<vmem>>) target(%dma_start3A_541 : memref<10x8x512xf32, #tpu.memory_space<hbm>>) target_semaphore(%arg21 : memref<!tpu.dma_semaphore, #tpu.memory_space<semaphore_mem>>)
      %add3A_542 = arith.constant 2 : i32
      %add3A_543 = arith.addi %mul3A_436, %add3A_542 : i32
      %lt3A_544 = arith.constant 25 : i32
      %lt3A_545 = arith.cmpi slt, %add3A_543, %lt3A_544 : i32
      %convert_element_type3A_546 = arith.extui %lt3A_545 : i1 to i32
      %cond3A_547 = arith.constant 0 : i32
      %cond3A_548 = arith.cmpi ne, %convert_element_type3A_546, %cond3A_547 : i32
      scf.if %cond3A_548 {
        %add3A_668 = arith.constant 2 : i32
        %add3A_669 = arith.addi %mul3A_436, %add3A_668 : i32
        %mul3A_670 = arith.constant 25 : i32
        %mul3A_671 = arith.muli %add3A, %mul3A_670 : i32
        %add3A_672 = arith.addi %mul3A_671, %add3A_669 : i32
        %jit3A_673 = arith.constant 32 : i32
        %div3A_674 = arith.divsi %add3A_672, %jit3A_673 : i32
        %sign3A_675 = arith.constant 0 : i32
        %sign3A_676 = arith.cmpi sgt, %add3A_672, %sign3A_675 : i32
        %sign3A_677 = arith.extui %sign3A_676 : i1 to i32
        %sign3A_678 = arith.constant 0 : i32
        %sign3A_679 = arith.cmpi slt, %add3A_672, %sign3A_678 : i32
        %sign3A_680 = arith.extui %sign3A_679 : i1 to i32
        %sign3A_681 = arith.subi %sign3A_677, %sign3A_680 : i32
        %sign3A_682 = arith.constant 0 : i32
        %sign3A_683 = arith.cmpi sgt, %jit3A_673, %sign3A_682 : i32
        %sign3A_684 = arith.extui %sign3A_683 : i1 to i32
        %sign3A_685 = arith.constant 0 : i32
        %sign3A_686 = arith.cmpi slt, %jit3A_673, %sign3A_685 : i32
        %sign3A_687 = arith.extui %sign3A_686 : i1 to i32
        %sign3A_688 = arith.subi %sign3A_684, %sign3A_687 : i32
        %ne3A_689 = arith.cmpi ne, %sign3A_681, %sign3A_688 : i32
        %rem3A_690 = arith.remsi %add3A_672, %jit3A_673 : i32
        %ne3A_691 = arith.constant 0 : i32
        %ne3A_692 = arith.cmpi ne, %rem3A_690, %ne3A_691 : i32
        %and3A_693 = arith.andi %ne3A_689, %ne3A_692 : i1
        %sub3A_694 = arith.constant 1 : i32
        %sub3A_695 = arith.subi %div3A_674, %sub3A_694 : i32
        %select_n3A_696 = arith.select %and3A_693, %sub3A_695, %div3A_674 : i32
        %jit3A_697 = arith.constant 32 : i32
        %eq3A_698 = arith.constant 0 : i32
        %eq3A_699 = arith.cmpi eq, %jit3A_697, %eq3A_698 : i32
        %jit3A_700 = arith.constant 1 : i32
        %select_n3A_701 = arith.select %eq3A_699, %jit3A_700, %jit3A_697 : i32
        %rem3A_702 = arith.remsi %add3A_672, %select_n3A_701 : i32
        %ne3A_703 = arith.constant 0 : i32
        %ne3A_704 = arith.cmpi ne, %rem3A_702, %ne3A_703 : i32
        %lt3A_705 = arith.constant 0 : i32
        %lt3A_706 = arith.cmpi slt, %rem3A_702, %lt3A_705 : i32
        %lt3A_707 = arith.constant 0 : i32
        %lt3A_708 = arith.cmpi slt, %select_n3A_701, %lt3A_707 : i32
        %ne3A_709 = arith.xori %lt3A_706, %lt3A_708 : i1
        %and3A_710 = arith.andi %ne3A_709, %ne3A_704 : i1
        %add3A_711 = arith.addi %rem3A_702, %select_n3A_701 : i32
        %select_n3A_712 = arith.select %and3A_710, %add3A_711, %rem3A_702 : i32
        %mul3A_713 = arith.constant 8 : i32
        %mul3A_714 = arith.muli %select_n3A_696, %mul3A_713 : i32
        %mul3A_715 = arith.constant 512 : i32
        %mul3A_716 = arith.muli %select_n3A_712, %mul3A_715 : i32
        %dma_start3A_717 = tpu.memref_slice %arg3[%mul3A_714, %mul3A_716] : memref<200x16384xi32, #tpu.memory_space<hbm>> -> memref<8x512xi32, #tpu.memory_space<hbm>>
        %dma_start3A_718 = tpu.memref_slice %arg3[%mul3A_714, %mul3A_716] : memref<200x16384xi32, #tpu.memory_space<hbm>> -> memref<8x512xi32, #tpu.memory_space<hbm>>
        tpu.enqueue_dma source(%dma_start3A_718 : memref<8x512xi32, #tpu.memory_space<hbm>>) target(%arg15 : memref<8x512xi32, #tpu.memory_space<vmem>>) target_semaphore(%arg19 : memref<!tpu.dma_semaphore, #tpu.memory_space<semaphore_mem>>)
      } else {
      }
      %mul3A_549 = arith.constant 2 : i32
      %mul3A_550 = arith.muli %scan3A_434, %mul3A_549 : i32
      %add3A_551 = arith.constant 1 : i32
      %add3A_552 = arith.addi %mul3A_550, %add3A_551 : i32
      %mul3A_553 = arith.constant 25 : i32
      %mul3A_554 = arith.muli %add3A, %mul3A_553 : i32
      %add3A_555 = arith.addi %mul3A_554, %add3A_552 : i32
      %jit3A_556 = arith.constant 32 : i32
      %div3A_557 = arith.divsi %add3A_555, %jit3A_556 : i32
      %sign3A_558 = arith.constant 0 : i32
      %sign3A_559 = arith.cmpi sgt, %add3A_555, %sign3A_558 : i32
      %sign3A_560 = arith.extui %sign3A_559 : i1 to i32
      %sign3A_561 = arith.constant 0 : i32
      %sign3A_562 = arith.cmpi slt, %add3A_555, %sign3A_561 : i32
      %sign3A_563 = arith.extui %sign3A_562 : i1 to i32
      %sign3A_564 = arith.subi %sign3A_560, %sign3A_563 : i32
      %sign3A_565 = arith.constant 0 : i32
      %sign3A_566 = arith.cmpi sgt, %jit3A_556, %sign3A_565 : i32
      %sign3A_567 = arith.extui %sign3A_566 : i1 to i32
      %sign3A_568 = arith.constant 0 : i32
      %sign3A_569 = arith.cmpi slt, %jit3A_556, %sign3A_568 : i32
      %sign3A_570 = arith.extui %sign3A_569 : i1 to i32
      %sign3A_571 = arith.subi %sign3A_567, %sign3A_570 : i32
      %ne3A_572 = arith.cmpi ne, %sign3A_564, %sign3A_571 : i32
      %rem3A_573 = arith.remsi %add3A_555, %jit3A_556 : i32
      %ne3A_574 = arith.constant 0 : i32
      %ne3A_575 = arith.cmpi ne, %rem3A_573, %ne3A_574 : i32
      %and3A_576 = arith.andi %ne3A_572, %ne3A_575 : i1
      %sub3A_577 = arith.constant 1 : i32
      %sub3A_578 = arith.subi %div3A_557, %sub3A_577 : i32
      %select_n3A_579 = arith.select %and3A_576, %sub3A_578, %div3A_557 : i32
      %jit3A_580 = arith.constant 32 : i32
      %eq3A_581 = arith.constant 0 : i32
      %eq3A_582 = arith.cmpi eq, %jit3A_580, %eq3A_581 : i32
      %jit3A_583 = arith.constant 1 : i32
      %select_n3A_584 = arith.select %eq3A_582, %jit3A_583, %jit3A_580 : i32
      %rem3A_585 = arith.remsi %add3A_555, %select_n3A_584 : i32
      %ne3A_586 = arith.constant 0 : i32
      %ne3A_587 = arith.cmpi ne, %rem3A_585, %ne3A_586 : i32
      %lt3A_588 = arith.constant 0 : i32
      %lt3A_589 = arith.cmpi slt, %rem3A_585, %lt3A_588 : i32
      %lt3A_590 = arith.constant 0 : i32
      %lt3A_591 = arith.cmpi slt, %select_n3A_584, %lt3A_590 : i32
      %ne3A_592 = arith.xori %lt3A_589, %lt3A_591 : i1
      %and3A_593 = arith.andi %ne3A_592, %ne3A_587 : i1
      %add3A_594 = arith.addi %rem3A_585, %select_n3A_584 : i32
      %select_n3A_595 = arith.select %and3A_593, %add3A_594, %rem3A_585 : i32
      %mul3A_596 = arith.constant 8 : i32
      %mul3A_597 = arith.muli %select_n3A_579, %mul3A_596 : i32
      %mul3A_598 = arith.constant 512 : i32
      %mul3A_599 = arith.muli %select_n3A_595, %mul3A_598 : i32
      %dma_wait3A_600 = tpu.memref_slice %arg3[%mul3A_597, %mul3A_599] : memref<200x16384xi32, #tpu.memory_space<hbm>> -> memref<8x512xi32, #tpu.memory_space<hbm>>
      %dma_wait3A_601 = tpu.memref_slice %arg3[%mul3A_597, %mul3A_599] : memref<200x16384xi32, #tpu.memory_space<hbm>> -> memref<8x512xi32, #tpu.memory_space<hbm>>
      tpu.wait_dma2 semaphore(%arg20 : memref<!tpu.dma_semaphore, #tpu.memory_space<semaphore_mem>>) src(%dma_wait3A_601 : memref<8x512xi32, #tpu.memory_space<hbm>>) dst(%arg16 : memref<8x512xi32, #tpu.memory_space<vmem>>)
      %ge3A_602 = arith.constant 2 : i32
      %ge3A_603 = arith.cmpi sge, %add3A_552, %ge3A_602 : i32
      %convert_element_type3A_604 = arith.extui %ge3A_603 : i1 to i32
      %cond3A_605 = arith.constant 0 : i32
      %cond3A_606 = arith.cmpi ne, %convert_element_type3A_604, %cond3A_605 : i32
      scf.if %cond3A_606 {
        %sub3A_668 = arith.constant 2 : i32
        %sub3A_669 = arith.subi %add3A_552, %sub3A_668 : i32
        %mul3A_670 = arith.constant 25 : i32
        %mul3A_671 = arith.muli %add3A, %mul3A_670 : i32
        %add3A_672 = arith.addi %mul3A_671, %sub3A_669 : i32
        %jit3A_673 = arith.constant 32 : i32
        %div3A_674 = arith.divsi %add3A_672, %jit3A_673 : i32
        %sign3A_675 = arith.constant 0 : i32
        %sign3A_676 = arith.cmpi sgt, %add3A_672, %sign3A_675 : i32
        %sign3A_677 = arith.extui %sign3A_676 : i1 to i32
        %sign3A_678 = arith.constant 0 : i32
        %sign3A_679 = arith.cmpi slt, %add3A_672, %sign3A_678 : i32
        %sign3A_680 = arith.extui %sign3A_679 : i1 to i32
        %sign3A_681 = arith.subi %sign3A_677, %sign3A_680 : i32
        %sign3A_682 = arith.constant 0 : i32
        %sign3A_683 = arith.cmpi sgt, %jit3A_673, %sign3A_682 : i32
        %sign3A_684 = arith.extui %sign3A_683 : i1 to i32
        %sign3A_685 = arith.constant 0 : i32
        %sign3A_686 = arith.cmpi slt, %jit3A_673, %sign3A_685 : i32
        %sign3A_687 = arith.extui %sign3A_686 : i1 to i32
        %sign3A_688 = arith.subi %sign3A_684, %sign3A_687 : i32
        %ne3A_689 = arith.cmpi ne, %sign3A_681, %sign3A_688 : i32
        %rem3A_690 = arith.remsi %add3A_672, %jit3A_673 : i32
        %ne3A_691 = arith.constant 0 : i32
        %ne3A_692 = arith.cmpi ne, %rem3A_690, %ne3A_691 : i32
        %and3A_693 = arith.andi %ne3A_689, %ne3A_692 : i1
        %sub3A_694 = arith.constant 1 : i32
        %sub3A_695 = arith.subi %div3A_674, %sub3A_694 : i32
        %select_n3A_696 = arith.select %and3A_693, %sub3A_695, %div3A_674 : i32
        %jit3A_697 = arith.constant 32 : i32
        %eq3A_698 = arith.constant 0 : i32
        %eq3A_699 = arith.cmpi eq, %jit3A_697, %eq3A_698 : i32
        %jit3A_700 = arith.constant 1 : i32
        %select_n3A_701 = arith.select %eq3A_699, %jit3A_700, %jit3A_697 : i32
        %rem3A_702 = arith.remsi %add3A_672, %select_n3A_701 : i32
        %ne3A_703 = arith.constant 0 : i32
        %ne3A_704 = arith.cmpi ne, %rem3A_702, %ne3A_703 : i32
        %lt3A_705 = arith.constant 0 : i32
        %lt3A_706 = arith.cmpi slt, %rem3A_702, %lt3A_705 : i32
        %lt3A_707 = arith.constant 0 : i32
        %lt3A_708 = arith.cmpi slt, %select_n3A_701, %lt3A_707 : i32
        %ne3A_709 = arith.xori %lt3A_706, %lt3A_708 : i1
        %and3A_710 = arith.andi %ne3A_709, %ne3A_704 : i1
        %add3A_711 = arith.addi %rem3A_702, %select_n3A_701 : i32
        %select_n3A_712 = arith.select %and3A_710, %add3A_711, %rem3A_702 : i32
        %mul3A_713 = arith.constant 8 : i32
        %mul3A_714 = arith.muli %select_n3A_696, %mul3A_713 : i32
        %mul3A_715 = arith.constant 512 : i32
        %mul3A_716 = arith.muli %select_n3A_712, %mul3A_715 : i32
        %dma_wait3A_717 = arith.constant 0 : i32
        %dma_wait3A_718 = tpu.memref_slice %arg4[%dma_wait3A_717, %mul3A_714, %mul3A_716] : memref<10x200x16384xf32, #tpu.memory_space<hbm>> -> memref<10x8x512xf32, #tpu.memory_space<hbm>>
        %dma_wait3A_719 = arith.constant 0 : i32
        %dma_wait3A_720 = tpu.memref_slice %arg4[%dma_wait3A_719, %mul3A_714, %mul3A_716] : memref<10x200x16384xf32, #tpu.memory_space<hbm>> -> memref<10x8x512xf32, #tpu.memory_space<hbm>>
        tpu.wait_dma2 semaphore(%arg22 : memref<!tpu.dma_semaphore, #tpu.memory_space<semaphore_mem>>) src(%arg18 : memref<10x8x512xf32, #tpu.memory_space<vmem>>) dst(%dma_wait3A_720 : memref<10x8x512xf32, #tpu.memory_space<hbm>>)
      } else {
      }
      %parallel_loop3A_607 = arith.constant 0 : i32
      %parallel_loop3A_608 = arith.constant 256 : i32
      %parallel_loop3A_609 = arith.constant 1 : i32
      scf.for %parallel_loop3A_668 = %parallel_loop3A_607 to %parallel_loop3A_608 step %parallel_loop3A_609  : i32 {
        %parallel_loop3A_669 = arith.constant 32 : i32
        %parallel_loop3A_670 = arith.divsi %parallel_loop3A_668, %parallel_loop3A_669 : i32
        %parallel_loop3A_671 = arith.constant 0 : i32
        %parallel_loop3A_672 = arith.cmpi sgt, %parallel_loop3A_668, %parallel_loop3A_671 : i32
        %parallel_loop3A_673 = arith.extui %parallel_loop3A_672 : i1 to i32
        %parallel_loop3A_674 = arith.constant 0 : i32
        %parallel_loop3A_675 = arith.cmpi slt, %parallel_loop3A_668, %parallel_loop3A_674 : i32
        %parallel_loop3A_676 = arith.extui %parallel_loop3A_675 : i1 to i32
        %parallel_loop3A_677 = arith.subi %parallel_loop3A_673, %parallel_loop3A_676 : i32
        %parallel_loop3A_678 = arith.constant 0 : i32
        %parallel_loop3A_679 = arith.cmpi sgt, %parallel_loop3A_669, %parallel_loop3A_678 : i32
        %parallel_loop3A_680 = arith.extui %parallel_loop3A_679 : i1 to i32
        %parallel_loop3A_681 = arith.constant 0 : i32
        %parallel_loop3A_682 = arith.cmpi slt, %parallel_loop3A_669, %parallel_loop3A_681 : i32
        %parallel_loop3A_683 = arith.extui %parallel_loop3A_682 : i1 to i32
        %parallel_loop3A_684 = arith.subi %parallel_loop3A_680, %parallel_loop3A_683 : i32
        %parallel_loop3A_685 = arith.cmpi ne, %parallel_loop3A_677, %parallel_loop3A_684 : i32
        %parallel_loop3A_686 = arith.remsi %parallel_loop3A_668, %parallel_loop3A_669 : i32
        %parallel_loop3A_687 = arith.constant 0 : i32
        %parallel_loop3A_688 = arith.cmpi ne, %parallel_loop3A_686, %parallel_loop3A_687 : i32
        %parallel_loop3A_689 = arith.andi %parallel_loop3A_685, %parallel_loop3A_688 : i1
        %parallel_loop3A_690 = arith.constant 1 : i32
        %parallel_loop3A_691 = arith.subi %parallel_loop3A_670, %parallel_loop3A_690 : i32
        %parallel_loop3A_692 = arith.select %parallel_loop3A_689, %parallel_loop3A_691, %parallel_loop3A_670 : i32
        %parallel_loop3A_693 = arith.constant 32 : i32
        %parallel_loop3A_694 = arith.constant 0 : i32
        %parallel_loop3A_695 = arith.cmpi eq, %parallel_loop3A_693, %parallel_loop3A_694 : i32
        %parallel_loop3A_696 = arith.constant 1 : i32
        %parallel_loop3A_697 = arith.select %parallel_loop3A_695, %parallel_loop3A_696, %parallel_loop3A_693 : i32
        %parallel_loop3A_698 = arith.remsi %parallel_loop3A_668, %parallel_loop3A_697 : i32
        %parallel_loop3A_699 = arith.constant 0 : i32
        %parallel_loop3A_700 = arith.cmpi ne, %parallel_loop3A_698, %parallel_loop3A_699 : i32
        %parallel_loop3A_701 = arith.constant 0 : i32
        %parallel_loop3A_702 = arith.cmpi slt, %parallel_loop3A_698, %parallel_loop3A_701 : i32
        %parallel_loop3A_703 = arith.constant 0 : i32
        %parallel_loop3A_704 = arith.cmpi slt, %parallel_loop3A_697, %parallel_loop3A_703 : i32
        %parallel_loop3A_705 = arith.xori %parallel_loop3A_702, %parallel_loop3A_704 : i1
        %parallel_loop3A_706 = arith.andi %parallel_loop3A_705, %parallel_loop3A_700 : i1
        %parallel_loop3A_707 = arith.addi %parallel_loop3A_698, %parallel_loop3A_697 : i32
        %parallel_loop3A_708 = arith.select %parallel_loop3A_706, %parallel_loop3A_707, %parallel_loop3A_698 : i32
        %parallel_loop3A_709 = arith.constant 16 : i32
        %parallel_loop3A_710 = arith.muli %parallel_loop3A_708, %parallel_loop3A_709 : i32
        %parallel_loop3A_711 = arith.index_cast %parallel_loop3A_692 : i32 to index
        %parallel_loop3A_712 = arith.index_cast %parallel_loop3A_710 : i32 to index
        %parallel_loop3A_713 = tpu.vector_load %arg16[%parallel_loop3A_711, %parallel_loop3A_712] {strides = array<i32>} : memref<8x512xi32, #tpu.memory_space<vmem>>, vector<16xi32>,
        %parallel_loop3A_714 = tpu.vector_load_idx %arg5[%parallel_loop3A_713] : memref<128xf32, #tpu.memory_space<vmem>>[vector<16xi32>], vector<16xf32>,
        %parallel_loop3A_715 = arith.constant 0 : i32
        %parallel_loop3A_716 = arith.index_cast %parallel_loop3A_715 : i32 to index
        %parallel_loop3A_717 = arith.index_cast %parallel_loop3A_692 : i32 to index
        %parallel_loop3A_718 = arith.index_cast %parallel_loop3A_710 : i32 to index
        %parallel_loop3A_719 = tpu.vector_load %arg18[%parallel_loop3A_716, %parallel_loop3A_717, %parallel_loop3A_718] {strides = array<i32>} : memref<10x8x512xf32, #tpu.memory_space<vmem>>, vector<16xf32>,
        tpu.vector_store %arg18[%parallel_loop3A_716, %parallel_loop3A_717, %parallel_loop3A_718], %parallel_loop3A_714 {strides = array<i32>} : memref<10x8x512xf32, #tpu.memory_space<vmem>>, vector<16xf32>,
        %parallel_loop3A_720 = tpu.vector_load_idx %arg6[%parallel_loop3A_713] : memref<128xf32, #tpu.memory_space<vmem>>[vector<16xi32>], vector<16xf32>,
        %parallel_loop3A_721 = arith.constant 1 : i32
        %parallel_loop3A_722 = arith.index_cast %parallel_loop3A_721 : i32 to index
        %parallel_loop3A_723 = arith.index_cast %parallel_loop3A_692 : i32 to index
        %parallel_loop3A_724 = arith.index_cast %parallel_loop3A_710 : i32 to index
        %parallel_loop3A_725 = tpu.vector_load %arg18[%parallel_loop3A_722, %parallel_loop3A_723, %parallel_loop3A_724] {strides = array<i32>} : memref<10x8x512xf32, #tpu.memory_space<vmem>>, vector<16xf32>,
        tpu.vector_store %arg18[%parallel_loop3A_722, %parallel_loop3A_723, %parallel_loop3A_724], %parallel_loop3A_720 {strides = array<i32>} : memref<10x8x512xf32, #tpu.memory_space<vmem>>, vector<16xf32>,
        %parallel_loop3A_726 = tpu.vector_load_idx %arg7[%parallel_loop3A_713] : memref<128xf32, #tpu.memory_space<vmem>>[vector<16xi32>], vector<16xf32>,
        %parallel_loop3A_727 = arith.constant 2 : i32
        %parallel_loop3A_728 = arith.index_cast %parallel_loop3A_727 : i32 to index
        %parallel_loop3A_729 = arith.index_cast %parallel_loop3A_692 : i32 to index
        %parallel_loop3A_730 = arith.index_cast %parallel_loop3A_710 : i32 to index
        %parallel_loop3A_731 = tpu.vector_load %arg18[%parallel_loop3A_728, %parallel_loop3A_729, %parallel_loop3A_730] {strides = array<i32>} : memref<10x8x512xf32, #tpu.memory_space<vmem>>, vector<16xf32>,
        tpu.vector_store %arg18[%parallel_loop3A_728, %parallel_loop3A_729, %parallel_loop3A_730], %parallel_loop3A_726 {strides = array<i32>} : memref<10x8x512xf32, #tpu.memory_space<vmem>>, vector<16xf32>,
        %parallel_loop3A_732 = tpu.vector_load_idx %arg8[%parallel_loop3A_713] : memref<128xf32, #tpu.memory_space<vmem>>[vector<16xi32>], vector<16xf32>,
        %parallel_loop3A_733 = arith.constant 3 : i32
        %parallel_loop3A_734 = arith.index_cast %parallel_loop3A_733 : i32 to index
        %parallel_loop3A_735 = arith.index_cast %parallel_loop3A_692 : i32 to index
        %parallel_loop3A_736 = arith.index_cast %parallel_loop3A_710 : i32 to index
        %parallel_loop3A_737 = tpu.vector_load %arg18[%parallel_loop3A_734, %parallel_loop3A_735, %parallel_loop3A_736] {strides = array<i32>} : memref<10x8x512xf32, #tpu.memory_space<vmem>>, vector<16xf32>,
        tpu.vector_store %arg18[%parallel_loop3A_734, %parallel_loop3A_735, %parallel_loop3A_736], %parallel_loop3A_732 {strides = array<i32>} : memref<10x8x512xf32, #tpu.memory_space<vmem>>, vector<16xf32>,
        %parallel_loop3A_738 = tpu.vector_load_idx %arg9[%parallel_loop3A_713] : memref<128xf32, #tpu.memory_space<vmem>>[vector<16xi32>], vector<16xf32>,
        %parallel_loop3A_739 = arith.constant 4 : i32
        %parallel_loop3A_740 = arith.index_cast %parallel_loop3A_739 : i32 to index
        %parallel_loop3A_741 = arith.index_cast %parallel_loop3A_692 : i32 to index
        %parallel_loop3A_742 = arith.index_cast %parallel_loop3A_710 : i32 to index
        %parallel_loop3A_743 = tpu.vector_load %arg18[%parallel_loop3A_740, %parallel_loop3A_741, %parallel_loop3A_742] {strides = array<i32>} : memref<10x8x512xf32, #tpu.memory_space<vmem>>, vector<16xf32>,
        tpu.vector_store %arg18[%parallel_loop3A_740, %parallel_loop3A_741, %parallel_loop3A_742], %parallel_loop3A_738 {strides = array<i32>} : memref<10x8x512xf32, #tpu.memory_space<vmem>>, vector<16xf32>,
        %parallel_loop3A_744 = tpu.vector_load_idx %arg10[%parallel_loop3A_713] : memref<128xf32, #tpu.memory_space<vmem>>[vector<16xi32>], vector<16xf32>,
        %parallel_loop3A_745 = arith.constant 5 : i32
        %parallel_loop3A_746 = arith.index_cast %parallel_loop3A_745 : i32 to index
        %parallel_loop3A_747 = arith.index_cast %parallel_loop3A_692 : i32 to index
        %parallel_loop3A_748 = arith.index_cast %parallel_loop3A_710 : i32 to index
        %parallel_loop3A_749 = tpu.vector_load %arg18[%parallel_loop3A_746, %parallel_loop3A_747, %parallel_loop3A_748] {strides = array<i32>} : memref<10x8x512xf32, #tpu.memory_space<vmem>>, vector<16xf32>,
        tpu.vector_store %arg18[%parallel_loop3A_746, %parallel_loop3A_747, %parallel_loop3A_748], %parallel_loop3A_744 {strides = array<i32>} : memref<10x8x512xf32, #tpu.memory_space<vmem>>, vector<16xf32>,
        %parallel_loop3A_750 = tpu.vector_load_idx %arg11[%parallel_loop3A_713] : memref<128xf32, #tpu.memory_space<vmem>>[vector<16xi32>], vector<16xf32>,
        %parallel_loop3A_751 = arith.constant 6 : i32
        %parallel_loop3A_752 = arith.index_cast %parallel_loop3A_751 : i32 to index
        %parallel_loop3A_753 = arith.index_cast %parallel_loop3A_692 : i32 to index
        %parallel_loop3A_754 = arith.index_cast %parallel_loop3A_710 : i32 to index
        %parallel_loop3A_755 = tpu.vector_load %arg18[%parallel_loop3A_752, %parallel_loop3A_753, %parallel_loop3A_754] {strides = array<i32>} : memref<10x8x512xf32, #tpu.memory_space<vmem>>, vector<16xf32>,
        tpu.vector_store %arg18[%parallel_loop3A_752, %parallel_loop3A_753, %parallel_loop3A_754], %parallel_loop3A_750 {strides = array<i32>} : memref<10x8x512xf32, #tpu.memory_space<vmem>>, vector<16xf32>,
        %parallel_loop3A_756 = tpu.vector_load_idx %arg12[%parallel_loop3A_713] : memref<128xf32, #tpu.memory_space<vmem>>[vector<16xi32>], vector<16xf32>,
        %parallel_loop3A_757 = arith.constant 7 : i32
        %parallel_loop3A_758 = arith.index_cast %parallel_loop3A_757 : i32 to index
        %parallel_loop3A_759 = arith.index_cast %parallel_loop3A_692 : i32 to index
        %parallel_loop3A_760 = arith.index_cast %parallel_loop3A_710 : i32 to index
        %parallel_loop3A_761 = tpu.vector_load %arg18[%parallel_loop3A_758, %parallel_loop3A_759, %parallel_loop3A_760] {strides = array<i32>} : memref<10x8x512xf32, #tpu.memory_space<vmem>>, vector<16xf32>,
        tpu.vector_store %arg18[%parallel_loop3A_758, %parallel_loop3A_759, %parallel_loop3A_760], %parallel_loop3A_756 {strides = array<i32>} : memref<10x8x512xf32, #tpu.memory_space<vmem>>, vector<16xf32>,
        %parallel_loop3A_762 = tpu.vector_load_idx %arg13[%parallel_loop3A_713] : memref<128xf32, #tpu.memory_space<vmem>>[vector<16xi32>], vector<16xf32>,
        %parallel_loop3A_763 = arith.constant 8 : i32
        %parallel_loop3A_764 = arith.index_cast %parallel_loop3A_763 : i32 to index
        %parallel_loop3A_765 = arith.index_cast %parallel_loop3A_692 : i32 to index
        %parallel_loop3A_766 = arith.index_cast %parallel_loop3A_710 : i32 to index
        %parallel_loop3A_767 = tpu.vector_load %arg18[%parallel_loop3A_764, %parallel_loop3A_765, %parallel_loop3A_766] {strides = array<i32>} : memref<10x8x512xf32, #tpu.memory_space<vmem>>, vector<16xf32>,
        tpu.vector_store %arg18[%parallel_loop3A_764, %parallel_loop3A_765, %parallel_loop3A_766], %parallel_loop3A_762 {strides = array<i32>} : memref<10x8x512xf32, #tpu.memory_space<vmem>>, vector<16xf32>,
        %parallel_loop3A_768 = tpu.vector_load_idx %arg14[%parallel_loop3A_713] : memref<128xf32, #tpu.memory_space<vmem>>[vector<16xi32>], vector<16xf32>,
        %parallel_loop3A_769 = arith.constant 9 : i32
        %parallel_loop3A_770 = arith.index_cast %parallel_loop3A_769 : i32 to index
        %parallel_loop3A_771 = arith.index_cast %parallel_loop3A_692 : i32 to index
        %parallel_loop3A_772 = arith.index_cast %parallel_loop3A_710 : i32 to index
        %parallel_loop3A_773 = tpu.vector_load %arg18[%parallel_loop3A_770, %parallel_loop3A_771, %parallel_loop3A_772] {strides = array<i32>} : memref<10x8x512xf32, #tpu.memory_space<vmem>>, vector<16xf32>,
        tpu.vector_store %arg18[%parallel_loop3A_770, %parallel_loop3A_771, %parallel_loop3A_772], %parallel_loop3A_768 {strides = array<i32>} : memref<10x8x512xf32, #tpu.memory_space<vmem>>, vector<16xf32>,
      } {sc.loop_unroll_factor = 4 : i64, sc.parallel_access}
      %mul3A_610 = arith.constant 25 : i32
      %mul3A_611 = arith.muli %add3A, %mul3A_610 : i32
      %add3A_612 = arith.addi %mul3A_611, %add3A_552 : i32
      %jit3A_613 = arith.constant 32 : i32
      %div3A_614 = arith.divsi %add3A_612, %jit3A_613 : i32
      %sign3A_615 = arith.constant 0 : i32
      %sign3A_616 = arith.cmpi sgt, %add3A_612, %sign3A_615 : i32
      %sign3A_617 = arith.extui %sign3A_616 : i1 to i32
      %sign3A_618 = arith.constant 0 : i32
      %sign3A_619 = arith.cmpi slt, %add3A_612, %sign3A_618 : i32
      %sign3A_620 = arith.extui %sign3A_619 : i1 to i32
      %sign3A_621 = arith.subi %sign3A_617, %sign3A_620 : i32
      %sign3A_622 = arith.constant 0 : i32
      %sign3A_623 = arith.cmpi sgt, %jit3A_613, %sign3A_622 : i32
      %sign3A_624 = arith.extui %sign3A_623 : i1 to i32
      %sign3A_625 = arith.constant 0 : i32
      %sign3A_626 = arith.cmpi slt, %jit3A_613, %sign3A_625 : i32
      %sign3A_627 = arith.extui %sign3A_626 : i1 to i32
      %sign3A_628 = arith.subi %sign3A_624, %sign3A_627 : i32
      %ne3A_629 = arith.cmpi ne, %sign3A_621, %sign3A_628 : i32
      %rem3A_630 = arith.remsi %add3A_612, %jit3A_613 : i32
      %ne3A_631 = arith.constant 0 : i32
      %ne3A_632 = arith.cmpi ne, %rem3A_630, %ne3A_631 : i32
      %and3A_633 = arith.andi %ne3A_629, %ne3A_632 : i1
      %sub3A_634 = arith.constant 1 : i32
      %sub3A_635 = arith.subi %div3A_614, %sub3A_634 : i32
      %select_n3A_636 = arith.select %and3A_633, %sub3A_635, %div3A_614 : i32
      %jit3A_637 = arith.constant 32 : i32
      %eq3A_638 = arith.constant 0 : i32
      %eq3A_639 = arith.cmpi eq, %jit3A_637, %eq3A_638 : i32
      %jit3A_640 = arith.constant 1 : i32
      %select_n3A_641 = arith.select %eq3A_639, %jit3A_640, %jit3A_637 : i32
      %rem3A_642 = arith.remsi %add3A_612, %select_n3A_641 : i32
      %ne3A_643 = arith.constant 0 : i32
      %ne3A_644 = arith.cmpi ne, %rem3A_642, %ne3A_643 : i32
      %lt3A_645 = arith.constant 0 : i32
      %lt3A_646 = arith.cmpi slt, %rem3A_642, %lt3A_645 : i32
      %lt3A_647 = arith.constant 0 : i32
      %lt3A_648 = arith.cmpi slt, %select_n3A_641, %lt3A_647 : i32
      %ne3A_649 = arith.xori %lt3A_646, %lt3A_648 : i1
      %and3A_650 = arith.andi %ne3A_649, %ne3A_644 : i1
      %add3A_651 = arith.addi %rem3A_642, %select_n3A_641 : i32
      %select_n3A_652 = arith.select %and3A_650, %add3A_651, %rem3A_642 : i32
      %mul3A_653 = arith.constant 8 : i32
      %mul3A_654 = arith.muli %select_n3A_636, %mul3A_653 : i32
      %mul3A_655 = arith.constant 512 : i32
      %mul3A_656 = arith.muli %select_n3A_652, %mul3A_655 : i32
      %dma_start3A_657 = arith.constant 0 : i32
      %dma_start3A_658 = tpu.memref_slice %arg4[%dma_start3A_657, %mul3A_654, %mul3A_656] : memref<10x200x16384xf32, #tpu.memory_space<hbm>> -> memref<10x8x512xf32, #tpu.memory_space<hbm>>
      %dma_start3A_659 = arith.constant 0 : i32
      %dma_start3A_660 = tpu.memref_slice %arg4[%dma_start3A_659, %mul3A_654, %mul3A_656] : memref<10x200x16384xf32, #tpu.memory_space<hbm>> -> memref<10x8x512xf32, #tpu.memory_space<hbm>>
      tpu.enqueue_dma source(%arg18 : memref<10x8x512xf32, #tpu.memory_space<vmem>>) target(%dma_start3A_660 : memref<10x8x512xf32, #tpu.memory_space<hbm>>) target_semaphore(%arg22 : memref<!tpu.dma_semaphore, #tpu.memory_space<semaphore_mem>>)
      %add3A_661 = arith.constant 2 : i32
      %add3A_662 = arith.addi %add3A_552, %add3A_661 : i32
      %lt3A_663 = arith.constant 25 : i32
      %lt3A_664 = arith.cmpi slt, %add3A_662, %lt3A_663 : i32
      %convert_element_type3A_665 = arith.extui %lt3A_664 : i1 to i32
      %cond3A_666 = arith.constant 0 : i32
      %cond3A_667 = arith.cmpi ne, %convert_element_type3A_665, %cond3A_666 : i32
      scf.if %cond3A_667 {
        %add3A_668 = arith.constant 2 : i32
        %add3A_669 = arith.addi %add3A_552, %add3A_668 : i32
        %mul3A_670 = arith.constant 25 : i32
        %mul3A_671 = arith.muli %add3A, %mul3A_670 : i32
        %add3A_672 = arith.addi %mul3A_671, %add3A_669 : i32
        %jit3A_673 = arith.constant 32 : i32
        %div3A_674 = arith.divsi %add3A_672, %jit3A_673 : i32
        %sign3A_675 = arith.constant 0 : i32
        %sign3A_676 = arith.cmpi sgt, %add3A_672, %sign3A_675 : i32
        %sign3A_677 = arith.extui %sign3A_676 : i1 to i32
        %sign3A_678 = arith.constant 0 : i32
        %sign3A_679 = arith.cmpi slt, %add3A_672, %sign3A_678 : i32
        %sign3A_680 = arith.extui %sign3A_679 : i1 to i32
        %sign3A_681 = arith.subi %sign3A_677, %sign3A_680 : i32
        %sign3A_682 = arith.constant 0 : i32
        %sign3A_683 = arith.cmpi sgt, %jit3A_673, %sign3A_682 : i32
        %sign3A_684 = arith.extui %sign3A_683 : i1 to i32
        %sign3A_685 = arith.constant 0 : i32
        %sign3A_686 = arith.cmpi slt, %jit3A_673, %sign3A_685 : i32
        %sign3A_687 = arith.extui %sign3A_686 : i1 to i32
        %sign3A_688 = arith.subi %sign3A_684, %sign3A_687 : i32
        %ne3A_689 = arith.cmpi ne, %sign3A_681, %sign3A_688 : i32
        %rem3A_690 = arith.remsi %add3A_672, %jit3A_673 : i32
        %ne3A_691 = arith.constant 0 : i32
        %ne3A_692 = arith.cmpi ne, %rem3A_690, %ne3A_691 : i32
        %and3A_693 = arith.andi %ne3A_689, %ne3A_692 : i1
        %sub3A_694 = arith.constant 1 : i32
        %sub3A_695 = arith.subi %div3A_674, %sub3A_694 : i32
        %select_n3A_696 = arith.select %and3A_693, %sub3A_695, %div3A_674 : i32
        %jit3A_697 = arith.constant 32 : i32
        %eq3A_698 = arith.constant 0 : i32
        %eq3A_699 = arith.cmpi eq, %jit3A_697, %eq3A_698 : i32
        %jit3A_700 = arith.constant 1 : i32
        %select_n3A_701 = arith.select %eq3A_699, %jit3A_700, %jit3A_697 : i32
        %rem3A_702 = arith.remsi %add3A_672, %select_n3A_701 : i32
        %ne3A_703 = arith.constant 0 : i32
        %ne3A_704 = arith.cmpi ne, %rem3A_702, %ne3A_703 : i32
        %lt3A_705 = arith.constant 0 : i32
        %lt3A_706 = arith.cmpi slt, %rem3A_702, %lt3A_705 : i32
        %lt3A_707 = arith.constant 0 : i32
        %lt3A_708 = arith.cmpi slt, %select_n3A_701, %lt3A_707 : i32
        %ne3A_709 = arith.xori %lt3A_706, %lt3A_708 : i1
        %and3A_710 = arith.andi %ne3A_709, %ne3A_704 : i1
        %add3A_711 = arith.addi %rem3A_702, %select_n3A_701 : i32
        %select_n3A_712 = arith.select %and3A_710, %add3A_711, %rem3A_702 : i32
        %mul3A_713 = arith.constant 8 : i32
        %mul3A_714 = arith.muli %select_n3A_696, %mul3A_713 : i32
        %mul3A_715 = arith.constant 512 : i32
        %mul3A_716 = arith.muli %select_n3A_712, %mul3A_715 : i32
        %dma_start3A_717 = tpu.memref_slice %arg3[%mul3A_714, %mul3A_716] : memref<200x16384xi32, #tpu.memory_space<hbm>> -> memref<8x512xi32, #tpu.memory_space<hbm>>
        %dma_start3A_718 = tpu.memref_slice %arg3[%mul3A_714, %mul3A_716] : memref<200x16384xi32, #tpu.memory_space<hbm>> -> memref<8x512xi32, #tpu.memory_space<hbm>>
        tpu.enqueue_dma source(%dma_start3A_718 : memref<8x512xi32, #tpu.memory_space<hbm>>) target(%arg16 : memref<8x512xi32, #tpu.memory_space<vmem>>) target_semaphore(%arg20 : memref<!tpu.dma_semaphore, #tpu.memory_space<semaphore_mem>>)
      } else {
      }
    }
    %scan3A_173 = arith.constant 12 : i32
    %mul3A_174 = arith.constant 25 : i32
    %mul3A_175 = arith.muli %add3A, %mul3A_174 : i32
    %add3A_176 = arith.constant 24 : i32
    %add3A_177 = arith.addi %mul3A_175, %add3A_176 : i32
    %jit3A_178 = arith.constant 32 : i32
    %div3A_179 = arith.divsi %add3A_177, %jit3A_178 : i32
    %sign3A_180 = arith.constant 0 : i32
    %sign3A_181 = arith.cmpi sgt, %add3A_177, %sign3A_180 : i32
    %sign3A_182 = arith.extui %sign3A_181 : i1 to i32
    %sign3A_183 = arith.constant 0 : i32
    %sign3A_184 = arith.cmpi slt, %add3A_177, %sign3A_183 : i32
    %sign3A_185 = arith.extui %sign3A_184 : i1 to i32
    %sign3A_186 = arith.subi %sign3A_182, %sign3A_185 : i32
    %sign3A_187 = arith.constant 0 : i32
    %sign3A_188 = arith.cmpi sgt, %jit3A_178, %sign3A_187 : i32
    %sign3A_189 = arith.extui %sign3A_188 : i1 to i32
    %sign3A_190 = arith.constant 0 : i32
    %sign3A_191 = arith.cmpi slt, %jit3A_178, %sign3A_190 : i32
    %sign3A_192 = arith.extui %sign3A_191 : i1 to i32
    %sign3A_193 = arith.subi %sign3A_189, %sign3A_192 : i32
    %ne3A_194 = arith.cmpi ne, %sign3A_186, %sign3A_193 : i32
    %rem3A_195 = arith.remsi %add3A_177, %jit3A_178 : i32
    %ne3A_196 = arith.constant 0 : i32
    %ne3A_197 = arith.cmpi ne, %rem3A_195, %ne3A_196 : i32
    %and3A_198 = arith.andi %ne3A_194, %ne3A_197 : i1
    %sub3A_199 = arith.constant 1 : i32
    %sub3A_200 = arith.subi %div3A_179, %sub3A_199 : i32
    %select_n3A_201 = arith.select %and3A_198, %sub3A_200, %div3A_179 : i32
    %jit3A_202 = arith.constant 32 : i32
    %eq3A_203 = arith.constant 0 : i32
    %eq3A_204 = arith.cmpi eq, %jit3A_202, %eq3A_203 : i32
    %jit3A_205 = arith.constant 1 : i32
    %select_n3A_206 = arith.select %eq3A_204, %jit3A_205, %jit3A_202 : i32
    %rem3A_207 = arith.remsi %add3A_177, %select_n3A_206 : i32
    %ne3A_208 = arith.constant 0 : i32
    %ne3A_209 = arith.cmpi ne, %rem3A_207, %ne3A_208 : i32
    %lt3A_210 = arith.constant 0 : i32
    %lt3A_211 = arith.cmpi slt, %rem3A_207, %lt3A_210 : i32
    %lt3A_212 = arith.constant 0 : i32
    %lt3A_213 = arith.cmpi slt, %select_n3A_206, %lt3A_212 : i32
    %ne3A_214 = arith.xori %lt3A_211, %lt3A_213 : i1
    %and3A_215 = arith.andi %ne3A_214, %ne3A_209 : i1
    %add3A_216 = arith.addi %rem3A_207, %select_n3A_206 : i32
    %select_n3A_217 = arith.select %and3A_215, %add3A_216, %rem3A_207 : i32
    %mul3A_218 = arith.constant 8 : i32
    %mul3A_219 = arith.muli %select_n3A_201, %mul3A_218 : i32
    %mul3A_220 = arith.constant 512 : i32
    %mul3A_221 = arith.muli %select_n3A_217, %mul3A_220 : i32
    %dma_wait3A_222 = tpu.memref_slice %arg3[%mul3A_219, %mul3A_221] : memref<200x16384xi32, #tpu.memory_space<hbm>> -> memref<8x512xi32, #tpu.memory_space<hbm>>
    %dma_wait3A_223 = tpu.memref_slice %arg3[%mul3A_219, %mul3A_221] : memref<200x16384xi32, #tpu.memory_space<hbm>> -> memref<8x512xi32, #tpu.memory_space<hbm>>
    tpu.wait_dma2 semaphore(%arg19 : memref<!tpu.dma_semaphore, #tpu.memory_space<semaphore_mem>>) src(%dma_wait3A_223 : memref<8x512xi32, #tpu.memory_space<hbm>>) dst(%arg15 : memref<8x512xi32, #tpu.memory_space<vmem>>)
    %mul3A_224 = arith.constant 25 : i32
    %mul3A_225 = arith.muli %add3A, %mul3A_224 : i32
    %add3A_226 = arith.constant 22 : i32
    %add3A_227 = arith.addi %mul3A_225, %add3A_226 : i32
    %jit3A_228 = arith.constant 32 : i32
    %div3A_229 = arith.divsi %add3A_227, %jit3A_228 : i32
    %sign3A_230 = arith.constant 0 : i32
    %sign3A_231 = arith.cmpi sgt, %add3A_227, %sign3A_230 : i32
    %sign3A_232 = arith.extui %sign3A_231 : i1 to i32
    %sign3A_233 = arith.constant 0 : i32
    %sign3A_234 = arith.cmpi slt, %add3A_227, %sign3A_233 : i32
    %sign3A_235 = arith.extui %sign3A_234 : i1 to i32
    %sign3A_236 = arith.subi %sign3A_232, %sign3A_235 : i32
    %sign3A_237 = arith.constant 0 : i32
    %sign3A_238 = arith.cmpi sgt, %jit3A_228, %sign3A_237 : i32
    %sign3A_239 = arith.extui %sign3A_238 : i1 to i32
    %sign3A_240 = arith.constant 0 : i32
    %sign3A_241 = arith.cmpi slt, %jit3A_228, %sign3A_240 : i32
    %sign3A_242 = arith.extui %sign3A_241 : i1 to i32
    %sign3A_243 = arith.subi %sign3A_239, %sign3A_242 : i32
    %ne3A_244 = arith.cmpi ne, %sign3A_236, %sign3A_243 : i32
    %rem3A_245 = arith.remsi %add3A_227, %jit3A_228 : i32
    %ne3A_246 = arith.constant 0 : i32
    %ne3A_247 = arith.cmpi ne, %rem3A_245, %ne3A_246 : i32
    %and3A_248 = arith.andi %ne3A_244, %ne3A_247 : i1
    %sub3A_249 = arith.constant 1 : i32
    %sub3A_250 = arith.subi %div3A_229, %sub3A_249 : i32
    %select_n3A_251 = arith.select %and3A_248, %sub3A_250, %div3A_229 : i32
    %jit3A_252 = arith.constant 32 : i32
    %eq3A_253 = arith.constant 0 : i32
    %eq3A_254 = arith.cmpi eq, %jit3A_252, %eq3A_253 : i32
    %jit3A_255 = arith.constant 1 : i32
    %select_n3A_256 = arith.select %eq3A_254, %jit3A_255, %jit3A_252 : i32
    %rem3A_257 = arith.remsi %add3A_227, %select_n3A_256 : i32
    %ne3A_258 = arith.constant 0 : i32
    %ne3A_259 = arith.cmpi ne, %rem3A_257, %ne3A_258 : i32
    %lt3A_260 = arith.constant 0 : i32
    %lt3A_261 = arith.cmpi slt, %rem3A_257, %lt3A_260 : i32
    %lt3A_262 = arith.constant 0 : i32
    %lt3A_263 = arith.cmpi slt, %select_n3A_256, %lt3A_262 : i32
    %ne3A_264 = arith.xori %lt3A_261, %lt3A_263 : i1
    %and3A_265 = arith.andi %ne3A_264, %ne3A_259 : i1
    %add3A_266 = arith.addi %rem3A_257, %select_n3A_256 : i32
    %select_n3A_267 = arith.select %and3A_265, %add3A_266, %rem3A_257 : i32
    %mul3A_268 = arith.constant 8 : i32
    %mul3A_269 = arith.muli %select_n3A_251, %mul3A_268 : i32
    %mul3A_270 = arith.constant 512 : i32
    %mul3A_271 = arith.muli %select_n3A_267, %mul3A_270 : i32
    %dma_wait3A_272 = arith.constant 0 : i32
    %dma_wait3A_273 = tpu.memref_slice %arg4[%dma_wait3A_272, %mul3A_269, %mul3A_271] : memref<10x200x16384xf32, #tpu.memory_space<hbm>> -> memref<10x8x512xf32, #tpu.memory_space<hbm>>
    %dma_wait3A_274 = arith.constant 0 : i32
    %dma_wait3A_275 = tpu.memref_slice %arg4[%dma_wait3A_274, %mul3A_269, %mul3A_271] : memref<10x200x16384xf32, #tpu.memory_space<hbm>> -> memref<10x8x512xf32, #tpu.memory_space<hbm>>
    tpu.wait_dma2 semaphore(%arg21 : memref<!tpu.dma_semaphore, #tpu.memory_space<semaphore_mem>>) src(%arg17 : memref<10x8x512xf32, #tpu.memory_space<vmem>>) dst(%dma_wait3A_275 : memref<10x8x512xf32, #tpu.memory_space<hbm>>)
    %parallel_loop3A = arith.constant 0 : i32
    %parallel_loop3A_276 = arith.constant 256 : i32
    %parallel_loop3A_277 = arith.constant 1 : i32
    scf.for %parallel_loop3A_434 = %parallel_loop3A to %parallel_loop3A_276 step %parallel_loop3A_277  : i32 {
      %parallel_loop3A_435 = arith.constant 32 : i32
      %parallel_loop3A_436 = arith.divsi %parallel_loop3A_434, %parallel_loop3A_435 : i32
      %parallel_loop3A_437 = arith.constant 0 : i32
      %parallel_loop3A_438 = arith.cmpi sgt, %parallel_loop3A_434, %parallel_loop3A_437 : i32
      %parallel_loop3A_439 = arith.extui %parallel_loop3A_438 : i1 to i32
      %parallel_loop3A_440 = arith.constant 0 : i32
      %parallel_loop3A_441 = arith.cmpi slt, %parallel_loop3A_434, %parallel_loop3A_440 : i32
      %parallel_loop3A_442 = arith.extui %parallel_loop3A_441 : i1 to i32
      %parallel_loop3A_443 = arith.subi %parallel_loop3A_439, %parallel_loop3A_442 : i32
      %parallel_loop3A_444 = arith.constant 0 : i32
      %parallel_loop3A_445 = arith.cmpi sgt, %parallel_loop3A_435, %parallel_loop3A_444 : i32
      %parallel_loop3A_446 = arith.extui %parallel_loop3A_445 : i1 to i32
      %parallel_loop3A_447 = arith.constant 0 : i32
      %parallel_loop3A_448 = arith.cmpi slt, %parallel_loop3A_435, %parallel_loop3A_447 : i32
      %parallel_loop3A_449 = arith.extui %parallel_loop3A_448 : i1 to i32
      %parallel_loop3A_450 = arith.subi %parallel_loop3A_446, %parallel_loop3A_449 : i32
      %parallel_loop3A_451 = arith.cmpi ne, %parallel_loop3A_443, %parallel_loop3A_450 : i32
      %parallel_loop3A_452 = arith.remsi %parallel_loop3A_434, %parallel_loop3A_435 : i32
      %parallel_loop3A_453 = arith.constant 0 : i32
      %parallel_loop3A_454 = arith.cmpi ne, %parallel_loop3A_452, %parallel_loop3A_453 : i32
      %parallel_loop3A_455 = arith.andi %parallel_loop3A_451, %parallel_loop3A_454 : i1
      %parallel_loop3A_456 = arith.constant 1 : i32
      %parallel_loop3A_457 = arith.subi %parallel_loop3A_436, %parallel_loop3A_456 : i32
      %parallel_loop3A_458 = arith.select %parallel_loop3A_455, %parallel_loop3A_457, %parallel_loop3A_436 : i32
      %parallel_loop3A_459 = arith.constant 32 : i32
      %parallel_loop3A_460 = arith.constant 0 : i32
      %parallel_loop3A_461 = arith.cmpi eq, %parallel_loop3A_459, %parallel_loop3A_460 : i32
      %parallel_loop3A_462 = arith.constant 1 : i32
      %parallel_loop3A_463 = arith.select %parallel_loop3A_461, %parallel_loop3A_462, %parallel_loop3A_459 : i32
      %parallel_loop3A_464 = arith.remsi %parallel_loop3A_434, %parallel_loop3A_463 : i32
      %parallel_loop3A_465 = arith.constant 0 : i32
      %parallel_loop3A_466 = arith.cmpi ne, %parallel_loop3A_464, %parallel_loop3A_465 : i32
      %parallel_loop3A_467 = arith.constant 0 : i32
      %parallel_loop3A_468 = arith.cmpi slt, %parallel_loop3A_464, %parallel_loop3A_467 : i32
      %parallel_loop3A_469 = arith.constant 0 : i32
      %parallel_loop3A_470 = arith.cmpi slt, %parallel_loop3A_463, %parallel_loop3A_469 : i32
      %parallel_loop3A_471 = arith.xori %parallel_loop3A_468, %parallel_loop3A_470 : i1
      %parallel_loop3A_472 = arith.andi %parallel_loop3A_471, %parallel_loop3A_466 : i1
      %parallel_loop3A_473 = arith.addi %parallel_loop3A_464, %parallel_loop3A_463 : i32
      %parallel_loop3A_474 = arith.select %parallel_loop3A_472, %parallel_loop3A_473, %parallel_loop3A_464 : i32
      %parallel_loop3A_475 = arith.constant 16 : i32
      %parallel_loop3A_476 = arith.muli %parallel_loop3A_474, %parallel_loop3A_475 : i32
      %parallel_loop3A_477 = arith.index_cast %parallel_loop3A_458 : i32 to index
      %parallel_loop3A_478 = arith.index_cast %parallel_loop3A_476 : i32 to index
      %parallel_loop3A_479 = tpu.vector_load %arg15[%parallel_loop3A_477, %parallel_loop3A_478] {strides = array<i32>} : memref<8x512xi32, #tpu.memory_space<vmem>>, vector<16xi32>,
      %parallel_loop3A_480 = tpu.vector_load_idx %arg5[%parallel_loop3A_479] : memref<128xf32, #tpu.memory_space<vmem>>[vector<16xi32>], vector<16xf32>,
      %parallel_loop3A_481 = arith.constant 0 : i32
      %parallel_loop3A_482 = arith.index_cast %parallel_loop3A_481 : i32 to index
      %parallel_loop3A_483 = arith.index_cast %parallel_loop3A_458 : i32 to index
      %parallel_loop3A_484 = arith.index_cast %parallel_loop3A_476 : i32 to index
      %parallel_loop3A_485 = tpu.vector_load %arg17[%parallel_loop3A_482, %parallel_loop3A_483, %parallel_loop3A_484] {strides = array<i32>} : memref<10x8x512xf32, #tpu.memory_space<vmem>>, vector<16xf32>,
      tpu.vector_store %arg17[%parallel_loop3A_482, %parallel_loop3A_483, %parallel_loop3A_484], %parallel_loop3A_480 {strides = array<i32>} : memref<10x8x512xf32, #tpu.memory_space<vmem>>, vector<16xf32>,
      %parallel_loop3A_486 = tpu.vector_load_idx %arg6[%parallel_loop3A_479] : memref<128xf32, #tpu.memory_space<vmem>>[vector<16xi32>], vector<16xf32>,
      %parallel_loop3A_487 = arith.constant 1 : i32
      %parallel_loop3A_488 = arith.index_cast %parallel_loop3A_487 : i32 to index
      %parallel_loop3A_489 = arith.index_cast %parallel_loop3A_458 : i32 to index
      %parallel_loop3A_490 = arith.index_cast %parallel_loop3A_476 : i32 to index
      %parallel_loop3A_491 = tpu.vector_load %arg17[%parallel_loop3A_488, %parallel_loop3A_489, %parallel_loop3A_490] {strides = array<i32>} : memref<10x8x512xf32, #tpu.memory_space<vmem>>, vector<16xf32>,
      tpu.vector_store %arg17[%parallel_loop3A_488, %parallel_loop3A_489, %parallel_loop3A_490], %parallel_loop3A_486 {strides = array<i32>} : memref<10x8x512xf32, #tpu.memory_space<vmem>>, vector<16xf32>,
      %parallel_loop3A_492 = tpu.vector_load_idx %arg7[%parallel_loop3A_479] : memref<128xf32, #tpu.memory_space<vmem>>[vector<16xi32>], vector<16xf32>,
      %parallel_loop3A_493 = arith.constant 2 : i32
      %parallel_loop3A_494 = arith.index_cast %parallel_loop3A_493 : i32 to index
      %parallel_loop3A_495 = arith.index_cast %parallel_loop3A_458 : i32 to index
      %parallel_loop3A_496 = arith.index_cast %parallel_loop3A_476 : i32 to index
      %parallel_loop3A_497 = tpu.vector_load %arg17[%parallel_loop3A_494, %parallel_loop3A_495, %parallel_loop3A_496] {strides = array<i32>} : memref<10x8x512xf32, #tpu.memory_space<vmem>>, vector<16xf32>,
      tpu.vector_store %arg17[%parallel_loop3A_494, %parallel_loop3A_495, %parallel_loop3A_496], %parallel_loop3A_492 {strides = array<i32>} : memref<10x8x512xf32, #tpu.memory_space<vmem>>, vector<16xf32>,
      %parallel_loop3A_498 = tpu.vector_load_idx %arg8[%parallel_loop3A_479] : memref<128xf32, #tpu.memory_space<vmem>>[vector<16xi32>], vector<16xf32>,
      %parallel_loop3A_499 = arith.constant 3 : i32
      %parallel_loop3A_500 = arith.index_cast %parallel_loop3A_499 : i32 to index
      %parallel_loop3A_501 = arith.index_cast %parallel_loop3A_458 : i32 to index
      %parallel_loop3A_502 = arith.index_cast %parallel_loop3A_476 : i32 to index
      %parallel_loop3A_503 = tpu.vector_load %arg17[%parallel_loop3A_500, %parallel_loop3A_501, %parallel_loop3A_502] {strides = array<i32>} : memref<10x8x512xf32, #tpu.memory_space<vmem>>, vector<16xf32>,
      tpu.vector_store %arg17[%parallel_loop3A_500, %parallel_loop3A_501, %parallel_loop3A_502], %parallel_loop3A_498 {strides = array<i32>} : memref<10x8x512xf32, #tpu.memory_space<vmem>>, vector<16xf32>,
      %parallel_loop3A_504 = tpu.vector_load_idx %arg9[%parallel_loop3A_479] : memref<128xf32, #tpu.memory_space<vmem>>[vector<16xi32>], vector<16xf32>,
      %parallel_loop3A_505 = arith.constant 4 : i32
      %parallel_loop3A_506 = arith.index_cast %parallel_loop3A_505 : i32 to index
      %parallel_loop3A_507 = arith.index_cast %parallel_loop3A_458 : i32 to index
      %parallel_loop3A_508 = arith.index_cast %parallel_loop3A_476 : i32 to index
      %parallel_loop3A_509 = tpu.vector_load %arg17[%parallel_loop3A_506, %parallel_loop3A_507, %parallel_loop3A_508] {strides = array<i32>} : memref<10x8x512xf32, #tpu.memory_space<vmem>>, vector<16xf32>,
      tpu.vector_store %arg17[%parallel_loop3A_506, %parallel_loop3A_507, %parallel_loop3A_508], %parallel_loop3A_504 {strides = array<i32>} : memref<10x8x512xf32, #tpu.memory_space<vmem>>, vector<16xf32>,
      %parallel_loop3A_510 = tpu.vector_load_idx %arg10[%parallel_loop3A_479] : memref<128xf32, #tpu.memory_space<vmem>>[vector<16xi32>], vector<16xf32>,
      %parallel_loop3A_511 = arith.constant 5 : i32
      %parallel_loop3A_512 = arith.index_cast %parallel_loop3A_511 : i32 to index
      %parallel_loop3A_513 = arith.index_cast %parallel_loop3A_458 : i32 to index
      %parallel_loop3A_514 = arith.index_cast %parallel_loop3A_476 : i32 to index
      %parallel_loop3A_515 = tpu.vector_load %arg17[%parallel_loop3A_512, %parallel_loop3A_513, %parallel_loop3A_514] {strides = array<i32>} : memref<10x8x512xf32, #tpu.memory_space<vmem>>, vector<16xf32>,
      tpu.vector_store %arg17[%parallel_loop3A_512, %parallel_loop3A_513, %parallel_loop3A_514], %parallel_loop3A_510 {strides = array<i32>} : memref<10x8x512xf32, #tpu.memory_space<vmem>>, vector<16xf32>,
      %parallel_loop3A_516 = tpu.vector_load_idx %arg11[%parallel_loop3A_479] : memref<128xf32, #tpu.memory_space<vmem>>[vector<16xi32>], vector<16xf32>,
      %parallel_loop3A_517 = arith.constant 6 : i32
      %parallel_loop3A_518 = arith.index_cast %parallel_loop3A_517 : i32 to index
      %parallel_loop3A_519 = arith.index_cast %parallel_loop3A_458 : i32 to index
      %parallel_loop3A_520 = arith.index_cast %parallel_loop3A_476 : i32 to index
      %parallel_loop3A_521 = tpu.vector_load %arg17[%parallel_loop3A_518, %parallel_loop3A_519, %parallel_loop3A_520] {strides = array<i32>} : memref<10x8x512xf32, #tpu.memory_space<vmem>>, vector<16xf32>,
      tpu.vector_store %arg17[%parallel_loop3A_518, %parallel_loop3A_519, %parallel_loop3A_520], %parallel_loop3A_516 {strides = array<i32>} : memref<10x8x512xf32, #tpu.memory_space<vmem>>, vector<16xf32>,
      %parallel_loop3A_522 = tpu.vector_load_idx %arg12[%parallel_loop3A_479] : memref<128xf32, #tpu.memory_space<vmem>>[vector<16xi32>], vector<16xf32>,
      %parallel_loop3A_523 = arith.constant 7 : i32
      %parallel_loop3A_524 = arith.index_cast %parallel_loop3A_523 : i32 to index
      %parallel_loop3A_525 = arith.index_cast %parallel_loop3A_458 : i32 to index
      %parallel_loop3A_526 = arith.index_cast %parallel_loop3A_476 : i32 to index
      %parallel_loop3A_527 = tpu.vector_load %arg17[%parallel_loop3A_524, %parallel_loop3A_525, %parallel_loop3A_526] {strides = array<i32>} : memref<10x8x512xf32, #tpu.memory_space<vmem>>, vector<16xf32>,
      tpu.vector_store %arg17[%parallel_loop3A_524, %parallel_loop3A_525, %parallel_loop3A_526], %parallel_loop3A_522 {strides = array<i32>} : memref<10x8x512xf32, #tpu.memory_space<vmem>>, vector<16xf32>,
      %parallel_loop3A_528 = tpu.vector_load_idx %arg13[%parallel_loop3A_479] : memref<128xf32, #tpu.memory_space<vmem>>[vector<16xi32>], vector<16xf32>,
      %parallel_loop3A_529 = arith.constant 8 : i32
      %parallel_loop3A_530 = arith.index_cast %parallel_loop3A_529 : i32 to index
      %parallel_loop3A_531 = arith.index_cast %parallel_loop3A_458 : i32 to index
      %parallel_loop3A_532 = arith.index_cast %parallel_loop3A_476 : i32 to index
      %parallel_loop3A_533 = tpu.vector_load %arg17[%parallel_loop3A_530, %parallel_loop3A_531, %parallel_loop3A_532] {strides = array<i32>} : memref<10x8x512xf32, #tpu.memory_space<vmem>>, vector<16xf32>,
      tpu.vector_store %arg17[%parallel_loop3A_530, %parallel_loop3A_531, %parallel_loop3A_532], %parallel_loop3A_528 {strides = array<i32>} : memref<10x8x512xf32, #tpu.memory_space<vmem>>, vector<16xf32>,
      %parallel_loop3A_534 = tpu.vector_load_idx %arg14[%parallel_loop3A_479] : memref<128xf32, #tpu.memory_space<vmem>>[vector<16xi32>], vector<16xf32>,
      %parallel_loop3A_535 = arith.constant 9 : i32
      %parallel_loop3A_536 = arith.index_cast %parallel_loop3A_535 : i32 to index
      %parallel_loop3A_537 = arith.index_cast %parallel_loop3A_458 : i32 to index
      %parallel_loop3A_538 = arith.index_cast %parallel_loop3A_476 : i32 to index
      %parallel_loop3A_539 = tpu.vector_load %arg17[%parallel_loop3A_536, %parallel_loop3A_537, %parallel_loop3A_538] {strides = array<i32>} : memref<10x8x512xf32, #tpu.memory_space<vmem>>, vector<16xf32>,
      tpu.vector_store %arg17[%parallel_loop3A_536, %parallel_loop3A_537, %parallel_loop3A_538], %parallel_loop3A_534 {strides = array<i32>} : memref<10x8x512xf32, #tpu.memory_space<vmem>>, vector<16xf32>,
    } {sc.loop_unroll_factor = 4 : i64, sc.parallel_access}
    %mul3A_278 = arith.constant 25 : i32
    %mul3A_279 = arith.muli %add3A, %mul3A_278 : i32
    %add3A_280 = arith.constant 24 : i32
    %add3A_281 = arith.addi %mul3A_279, %add3A_280 : i32
    %jit3A_282 = arith.constant 32 : i32
    %div3A_283 = arith.divsi %add3A_281, %jit3A_282 : i32
    %sign3A_284 = arith.constant 0 : i32
    %sign3A_285 = arith.cmpi sgt, %add3A_281, %sign3A_284 : i32
    %sign3A_286 = arith.extui %sign3A_285 : i1 to i32
    %sign3A_287 = arith.constant 0 : i32
    %sign3A_288 = arith.cmpi slt, %add3A_281, %sign3A_287 : i32
    %sign3A_289 = arith.extui %sign3A_288 : i1 to i32
    %sign3A_290 = arith.subi %sign3A_286, %sign3A_289 : i32
    %sign3A_291 = arith.constant 0 : i32
    %sign3A_292 = arith.cmpi sgt, %jit3A_282, %sign3A_291 : i32
    %sign3A_293 = arith.extui %sign3A_292 : i1 to i32
    %sign3A_294 = arith.constant 0 : i32
    %sign3A_295 = arith.cmpi slt, %jit3A_282, %sign3A_294 : i32
    %sign3A_296 = arith.extui %sign3A_295 : i1 to i32
    %sign3A_297 = arith.subi %sign3A_293, %sign3A_296 : i32
    %ne3A_298 = arith.cmpi ne, %sign3A_290, %sign3A_297 : i32
    %rem3A_299 = arith.remsi %add3A_281, %jit3A_282 : i32
    %ne3A_300 = arith.constant 0 : i32
    %ne3A_301 = arith.cmpi ne, %rem3A_299, %ne3A_300 : i32
    %and3A_302 = arith.andi %ne3A_298, %ne3A_301 : i1
    %sub3A_303 = arith.constant 1 : i32
    %sub3A_304 = arith.subi %div3A_283, %sub3A_303 : i32
    %select_n3A_305 = arith.select %and3A_302, %sub3A_304, %div3A_283 : i32
    %jit3A_306 = arith.constant 32 : i32
    %eq3A_307 = arith.constant 0 : i32
    %eq3A_308 = arith.cmpi eq, %jit3A_306, %eq3A_307 : i32
    %jit3A_309 = arith.constant 1 : i32
    %select_n3A_310 = arith.select %eq3A_308, %jit3A_309, %jit3A_306 : i32
    %rem3A_311 = arith.remsi %add3A_281, %select_n3A_310 : i32
    %ne3A_312 = arith.constant 0 : i32
    %ne3A_313 = arith.cmpi ne, %rem3A_311, %ne3A_312 : i32
    %lt3A_314 = arith.constant 0 : i32
    %lt3A_315 = arith.cmpi slt, %rem3A_311, %lt3A_314 : i32
    %lt3A_316 = arith.constant 0 : i32
    %lt3A_317 = arith.cmpi slt, %select_n3A_310, %lt3A_316 : i32
    %ne3A_318 = arith.xori %lt3A_315, %lt3A_317 : i1
    %and3A_319 = arith.andi %ne3A_318, %ne3A_313 : i1
    %add3A_320 = arith.addi %rem3A_311, %select_n3A_310 : i32
    %select_n3A_321 = arith.select %and3A_319, %add3A_320, %rem3A_311 : i32
    %mul3A_322 = arith.constant 8 : i32
    %mul3A_323 = arith.muli %select_n3A_305, %mul3A_322 : i32
    %mul3A_324 = arith.constant 512 : i32
    %mul3A_325 = arith.muli %select_n3A_321, %mul3A_324 : i32
    %dma_start3A_326 = arith.constant 0 : i32
    %dma_start3A_327 = tpu.memref_slice %arg4[%dma_start3A_326, %mul3A_323, %mul3A_325] : memref<10x200x16384xf32, #tpu.memory_space<hbm>> -> memref<10x8x512xf32, #tpu.memory_space<hbm>>
    %dma_start3A_328 = arith.constant 0 : i32
    %dma_start3A_329 = tpu.memref_slice %arg4[%dma_start3A_328, %mul3A_323, %mul3A_325] : memref<10x200x16384xf32, #tpu.memory_space<hbm>> -> memref<10x8x512xf32, #tpu.memory_space<hbm>>
    tpu.enqueue_dma source(%arg17 : memref<10x8x512xf32, #tpu.memory_space<vmem>>) target(%dma_start3A_329 : memref<10x8x512xf32, #tpu.memory_space<hbm>>) target_semaphore(%arg21 : memref<!tpu.dma_semaphore, #tpu.memory_space<semaphore_mem>>)
    %mul3A_330 = arith.constant 25 : i32
    %mul3A_331 = arith.muli %add3A, %mul3A_330 : i32
    %add3A_332 = arith.constant 23 : i32
    %add3A_333 = arith.addi %mul3A_331, %add3A_332 : i32
    %jit3A_334 = arith.constant 32 : i32
    %div3A_335 = arith.divsi %add3A_333, %jit3A_334 : i32
    %sign3A_336 = arith.constant 0 : i32
    %sign3A_337 = arith.cmpi sgt, %add3A_333, %sign3A_336 : i32
    %sign3A_338 = arith.extui %sign3A_337 : i1 to i32
    %sign3A_339 = arith.constant 0 : i32
    %sign3A_340 = arith.cmpi slt, %add3A_333, %sign3A_339 : i32
    %sign3A_341 = arith.extui %sign3A_340 : i1 to i32
    %sign3A_342 = arith.subi %sign3A_338, %sign3A_341 : i32
    %sign3A_343 = arith.constant 0 : i32
    %sign3A_344 = arith.cmpi sgt, %jit3A_334, %sign3A_343 : i32
    %sign3A_345 = arith.extui %sign3A_344 : i1 to i32
    %sign3A_346 = arith.constant 0 : i32
    %sign3A_347 = arith.cmpi slt, %jit3A_334, %sign3A_346 : i32
    %sign3A_348 = arith.extui %sign3A_347 : i1 to i32
    %sign3A_349 = arith.subi %sign3A_345, %sign3A_348 : i32
    %ne3A_350 = arith.cmpi ne, %sign3A_342, %sign3A_349 : i32
    %rem3A_351 = arith.remsi %add3A_333, %jit3A_334 : i32
    %ne3A_352 = arith.constant 0 : i32
    %ne3A_353 = arith.cmpi ne, %rem3A_351, %ne3A_352 : i32
    %and3A_354 = arith.andi %ne3A_350, %ne3A_353 : i1
    %sub3A_355 = arith.constant 1 : i32
    %sub3A_356 = arith.subi %div3A_335, %sub3A_355 : i32
    %select_n3A_357 = arith.select %and3A_354, %sub3A_356, %div3A_335 : i32
    %jit3A_358 = arith.constant 32 : i32
    %eq3A_359 = arith.constant 0 : i32
    %eq3A_360 = arith.cmpi eq, %jit3A_358, %eq3A_359 : i32
    %jit3A_361 = arith.constant 1 : i32
    %select_n3A_362 = arith.select %eq3A_360, %jit3A_361, %jit3A_358 : i32
    %rem3A_363 = arith.remsi %add3A_333, %select_n3A_362 : i32
    %ne3A_364 = arith.constant 0 : i32
    %ne3A_365 = arith.cmpi ne, %rem3A_363, %ne3A_364 : i32
    %lt3A_366 = arith.constant 0 : i32
    %lt3A_367 = arith.cmpi slt, %rem3A_363, %lt3A_366 : i32
    %lt3A_368 = arith.constant 0 : i32
    %lt3A_369 = arith.cmpi slt, %select_n3A_362, %lt3A_368 : i32
    %ne3A_370 = arith.xori %lt3A_367, %lt3A_369 : i1
    %and3A_371 = arith.andi %ne3A_370, %ne3A_365 : i1
    %add3A_372 = arith.addi %rem3A_363, %select_n3A_362 : i32
    %select_n3A_373 = arith.select %and3A_371, %add3A_372, %rem3A_363 : i32
    %mul3A_374 = arith.constant 8 : i32
    %mul3A_375 = arith.muli %select_n3A_357, %mul3A_374 : i32
    %mul3A_376 = arith.constant 512 : i32
    %mul3A_377 = arith.muli %select_n3A_373, %mul3A_376 : i32
    %dma_wait3A_378 = arith.constant 0 : i32
    %dma_wait3A_379 = tpu.memref_slice %arg4[%dma_wait3A_378, %mul3A_375, %mul3A_377] : memref<10x200x16384xf32, #tpu.memory_space<hbm>> -> memref<10x8x512xf32, #tpu.memory_space<hbm>>
    %dma_wait3A_380 = arith.constant 0 : i32
    %dma_wait3A_381 = tpu.memref_slice %arg4[%dma_wait3A_380, %mul3A_375, %mul3A_377] : memref<10x200x16384xf32, #tpu.memory_space<hbm>> -> memref<10x8x512xf32, #tpu.memory_space<hbm>>
    tpu.wait_dma2 semaphore(%arg22 : memref<!tpu.dma_semaphore, #tpu.memory_space<semaphore_mem>>) src(%arg18 : memref<10x8x512xf32, #tpu.memory_space<vmem>>) dst(%dma_wait3A_381 : memref<10x8x512xf32, #tpu.memory_space<hbm>>)
    %mul3A_382 = arith.constant 25 : i32
    %mul3A_383 = arith.muli %add3A, %mul3A_382 : i32
    %add3A_384 = arith.constant 24 : i32
    %add3A_385 = arith.addi %mul3A_383, %add3A_384 : i32
    %jit3A_386 = arith.constant 32 : i32
    %div3A_387 = arith.divsi %add3A_385, %jit3A_386 : i32
    %sign3A_388 = arith.constant 0 : i32
    %sign3A_389 = arith.cmpi sgt, %add3A_385, %sign3A_388 : i32
    %sign3A_390 = arith.extui %sign3A_389 : i1 to i32
    %sign3A_391 = arith.constant 0 : i32
    %sign3A_392 = arith.cmpi slt, %add3A_385, %sign3A_391 : i32
    %sign3A_393 = arith.extui %sign3A_392 : i1 to i32
    %sign3A_394 = arith.subi %sign3A_390, %sign3A_393 : i32
    %sign3A_395 = arith.constant 0 : i32
    %sign3A_396 = arith.cmpi sgt, %jit3A_386, %sign3A_395 : i32
    %sign3A_397 = arith.extui %sign3A_396 : i1 to i32
    %sign3A_398 = arith.constant 0 : i32
    %sign3A_399 = arith.cmpi slt, %jit3A_386, %sign3A_398 : i32
    %sign3A_400 = arith.extui %sign3A_399 : i1 to i32
    %sign3A_401 = arith.subi %sign3A_397, %sign3A_400 : i32
    %ne3A_402 = arith.cmpi ne, %sign3A_394, %sign3A_401 : i32
    %rem3A_403 = arith.remsi %add3A_385, %jit3A_386 : i32
    %ne3A_404 = arith.constant 0 : i32
    %ne3A_405 = arith.cmpi ne, %rem3A_403, %ne3A_404 : i32
    %and3A_406 = arith.andi %ne3A_402, %ne3A_405 : i1
    %sub3A_407 = arith.constant 1 : i32
    %sub3A_408 = arith.subi %div3A_387, %sub3A_407 : i32
    %select_n3A_409 = arith.select %and3A_406, %sub3A_408, %div3A_387 : i32
    %jit3A_410 = arith.constant 32 : i32
    %eq3A_411 = arith.constant 0 : i32
    %eq3A_412 = arith.cmpi eq, %jit3A_410, %eq3A_411 : i32
    %jit3A_413 = arith.constant 1 : i32
    %select_n3A_414 = arith.select %eq3A_412, %jit3A_413, %jit3A_410 : i32
    %rem3A_415 = arith.remsi %add3A_385, %select_n3A_414 : i32
    %ne3A_416 = arith.constant 0 : i32
    %ne3A_417 = arith.cmpi ne, %rem3A_415, %ne3A_416 : i32
    %lt3A_418 = arith.constant 0 : i32
    %lt3A_419 = arith.cmpi slt, %rem3A_415, %lt3A_418 : i32
    %lt3A_420 = arith.constant 0 : i32
    %lt3A_421 = arith.cmpi slt, %select_n3A_414, %lt3A_420 : i32
    %ne3A_422 = arith.xori %lt3A_419, %lt3A_421 : i1
    %and3A_423 = arith.andi %ne3A_422, %ne3A_417 : i1
    %add3A_424 = arith.addi %rem3A_415, %select_n3A_414 : i32
    %select_n3A_425 = arith.select %and3A_423, %add3A_424, %rem3A_415 : i32
    %mul3A_426 = arith.constant 8 : i32
    %mul3A_427 = arith.muli %select_n3A_409, %mul3A_426 : i32
    %mul3A_428 = arith.constant 512 : i32
    %mul3A_429 = arith.muli %select_n3A_425, %mul3A_428 : i32
    %dma_wait3A_430 = arith.constant 0 : i32
    %dma_wait3A_431 = tpu.memref_slice %arg4[%dma_wait3A_430, %mul3A_427, %mul3A_429] : memref<10x200x16384xf32, #tpu.memory_space<hbm>> -> memref<10x8x512xf32, #tpu.memory_space<hbm>>
    %dma_wait3A_432 = arith.constant 0 : i32
    %dma_wait3A_433 = tpu.memref_slice %arg4[%dma_wait3A_432, %mul3A_427, %mul3A_429] : memref<10x200x16384xf32, #tpu.memory_space<hbm>> -> memref<10x8x512xf32, #tpu.memory_space<hbm>>
    tpu.wait_dma2 semaphore(%arg21 : memref<!tpu.dma_semaphore, #tpu.memory_space<semaphore_mem>>) src(%arg17 : memref<10x8x512xf32, #tpu.memory_space<vmem>>) dst(%dma_wait3A_433 : memref<10x8x512xf32, #tpu.memory_space<hbm>>)
    return
  }
}

</mosaic_0001>

<sc_bundles>
// kernel: kernel.3.cloned.1.call-start
scs
__scs_entry_jumppad:
0x0: {  	(pc) =	sbr.rel $0x88, $3  }
0x1: {  	(tag) =	ssettag $0x0;
	lr =	simm.s32 $0x1  }
0x2: {  	[smem:$0x3F9F] =	sst lr;
	_ =	strace $0xD0000000  }
0x3: {  	_ = 	snop  }
0x4: {  	_ = 	snop  }
0x5: {  	_ = 	snop  }
0x6: {  	_ = 	snop  }
0x7: {  	_ = 	snop  }
__scs_overlays_trampoline_lowered:
0x8: {  	[smem:$0x3FAE] =	sst s0  }
0x9: {  	[smem:$0x3FAF] =	sst s1  }
0xa: {  	[smem:$0x3FB0] =	sst s2  }
0xb: {  	[smem:$0x3FB1] =	sst s3  }
0xc: {  	[smem:$0x3FB2] =	sst s4  }
0xd: {  	[smem:$0x3FB3] =	sst s5  }
0xe: {  	[smem:$0x3FB4] =	sst s6  }
0xf: {  	[smem:$0x3FB5] =	sst s7  }
0x10: {  	[smem:$0x3FB6] =	sst s8  }
0x11: {  	[smem:$0x3FB7] =	sst s9;
	s0 =	simm.s32 @!p0 $0x0  }
0x12: {  	s1 =	sld [smem:$0x3F9D];
	s0 =	simm.s32 @p0 $0x1  }
0x13: {  	[smem:$0x3FB8] =	sst s0;
	s0 =	simm.s32 @!p1 $0x0  }
0x14: {  	s2 =	sld [smem:$0x3F9C];
	s0 =	simm.s32 @p1 $0x1  }
0x15: {  	[smem:$0x3FB9] =	sst s0;
	s0 =	simm.s32 @!p2 $0x0  }
0x16: {  	s3 =	sld [smem:$0x3FDB];
	s0 =	simm.s32 @p2 $0x1  }
0x17: {  	s4 =	simm.s32 $0x1BF5;
	[smem:$0x3FBB] =	sst s0  }
0x18: {  	s0 =	sld [smem:$0x3F9E];
	_ =	swait.ge [sflag:s4], $0x0  }
0x19: {  	s7 =	sld [smem:$0x3F9F]  }
0x1a: {  	s8 =	sadd.s32 $0xFFFFE003, lr  }
0x1b: {  	s9 =	sadd.s32 $0xFFFFFEF7, lr;
	s5 =	simm.s32 $0xFFFFFFFF;
	p2 =	slt.u32 s8, $0xFFFFF086  }
0x1c: {  	p1 =	slt.u32 s9, $0xF7A;
	s5 =	simm.s32 @!p2 $0x0  }
0x1d: {  	s5 =	simm.s32 @p1 $0x1;
	p0 =	seq.s32 s7, s2  }
0x1e: {  	s7 =	smul.u32 @!p0 $0xF7A, s2;
	p2 =	seq.s32 @!p0 s5, $0x0  }
0x1f: {  	s9 =	smul.u32 $0xF7A, s1;
	s8 =	simm.s32 @!p0 $0x1BF5;
	p2 =	por !p2, p0  }
0x20: {  	[sflag:s8] =	ssyncset.s32 @!p0 $0xFFFFF086;
	s6 =	sadd.s32 @!p0 s3, s7;
	s7 =	simm.s32 @!p0 $0x108  }
0x21: {  	s3 =	sadd.s32 s3, s9;
	s6 =	sadd.s32 @!p0 $0x88, s6;
	s7 =	simm.s32 @p2 $0x1082  }
0x22: {  	[simem:s7], [sflag:s8] =	dma.local @!p0 [hbm:s6], $0xF7A  }
0x23: {  	s9 =	sor.u32 $0xD0000000, s2;
	s6 =	simm.s32 $0x108;
	_ =	swait.ge @!p0 [sflag:s8], $0x0  }
0x24: {  	s3 =	sadd.s32 $0x88, s3;
	s6 =	simm.s32 @!p1 $0x1082;
	[sflag:s4] =	ssyncset.s32 $0xFFFFF086  }
0x25: {  	[simem:s6], [sflag:s4] =	dma.local [hbm:s3], $0xF7A  }
0x26: {  	[smem:$0x3F9F] =	sst s1;
	(tag) =	ssettag s2;
	_ =	strace s9  }
0x27: {  	s1 =	sld [smem:$0x3FAF]  }
0x28: {  	s2 =	sld [smem:$0x3FB0]  }
0x29: {  	s4 =	sld [smem:$0x3FB2]  }
0x2a: {  	p0 =	seq.s32 s5, $0x0;
	s5 =	sld [smem:$0x3FB3]  }
0x2b: {  	s6 =	sld [smem:$0x3FB4]  }
0x2c: {  	s7 =	sld [smem:$0x3FB5]  }
0x2d: {  	s3 =	simm.s32 $0x108;
	s8 =	sld [smem:$0x3FB6]  }
0x2e: {  	s3 =	simm.s32 @!p0 $0x1082;
	s9 =	sld [smem:$0x3FB7]  }
0x2f: {  	lr =	sadd.s32 s0, s3;
	s0 =	sld [smem:$0x3FAE]  }
0x30: {  	s3 =	sld [smem:$0x3FB1]  }
0x31: {  	[smem:$0x3FBA] =	sst s10  }
0x32: {  	s10 =	sld [smem:$0x3FB8];
	_ =	sdelay $0x3  }
0x33: {  	p0 =	seq.s32 s10, $0x1;
	s10 =	sld [smem:$0x3FBA];
	_ =	sdelay $0x3  }
0x34: {  	[smem:$0x3FBA] =	sst s10  }
0x35: {  	s10 =	sld [smem:$0x3FB9];
	_ =	sdelay $0x3  }
0x36: {  	p1 =	seq.s32 s10, $0x1;
	s10 =	sld [smem:$0x3FBA];
	_ =	sdelay $0x3  }
0x37: {  	[smem:$0x3FBA] =	sst s10  }
0x38: {  	s10 =	sld [smem:$0x3FBB]  }
0x39: {  	_ = 	snop;
	(pc) =	sbr.ind lr, $3  }
0x3a: {  	_ = 	snop  }
0x3b: {  	_ = 	snop  }
0x3c: {  	p2 =	seq.s32 s10, $0x1;
	s10 =	sld [smem:$0x3FBA]  }
0x3d: {  	_ =	shalt  }
0x3e: {  	_ =	shalt  }
0x3f: {  	_ =	shalt  }
0x40: {  	_ =	shalt  }
0x41: {  	_ =	shalt  }
0x42: {  	_ =	shalt  }
0x43: {  	_ =	shalt  }
0x44: {  	_ =	shalt  }
0x45: {  	_ =	shalt  }
0x46: {  	_ =	shalt  }
0x47: {  	_ =	shalt  }
0x48: {  	_ =	shalt  }
0x49: {  	_ =	shalt  }
0x4a: {  	_ =	shalt  }
0x4b: {  	_ =	shalt  }
0x4c: {  	_ =	shalt  }
0x4d: {  	_ =	shalt  }
0x4e: {  	_ =	shalt  }
0x4f: {  	_ =	shalt  }
0x50: {  	_ =	shalt  }
0x51: {  	_ =	shalt  }
0x52: {  	_ =	shalt  }
0x53: {  	_ =	shalt  }
0x54: {  	_ =	shalt  }
0x55: {  	_ =	shalt  }
0x56: {  	_ =	shalt  }
0x57: {  	_ =	shalt  }
0x58: {  	_ =	shalt  }
0x59: {  	_ =	shalt  }
0x5a: {  	_ =	shalt  }
0x5b: {  	_ =	shalt  }
0x5c: {  	_ =	shalt  }
0x5d: {  	_ =	shalt  }
0x5e: {  	_ =	shalt  }
0x5f: {  	_ =	shalt  }
0x60: {  	_ =	shalt  }
0x61: {  	_ =	shalt  }
0x62: {  	_ =	shalt  }
0x63: {  	_ =	shalt  }
0x64: {  	_ =	shalt  }
0x65: {  	_ =	shalt  }
0x66: {  	_ =	shalt  }
0x67: {  	_ =	shalt  }
0x68: {  	_ =	shalt  }
0x69: {  	_ =	shalt  }
0x6a: {  	_ =	shalt  }
0x6b: {  	_ =	shalt  }
0x6c: {  	_ =	shalt  }
0x6d: {  	_ =	shalt  }
0x6e: {  	_ =	shalt  }
0x6f: {  	_ =	shalt  }
0x70: {  	_ =	shalt  }
0x71: {  	_ =	shalt  }
0x72: {  	_ =	shalt  }
0x73: {  	_ =	shalt  }
0x74: {  	_ =	shalt  }
0x75: {  	_ =	shalt  }
0x76: {  	_ =	shalt  }
0x77: {  	_ =	shalt  }
0x78: {  	_ =	shalt  }
0x79: {  	_ =	shalt  }
0x7a: {  	_ =	shalt  }
0x7b: {  	_ =	shalt  }
0x7c: {  	_ =	shalt  }
0x7d: {  	_ =	shalt  }
0x7e: {  	_ =	shalt  }
0x7f: {  	_ =	shalt  }
0x80: {  	_ =	shalt  }
0x81: {  	_ =	shalt  }
0x82: {  	_ =	shalt  }
0x83: {  	_ =	shalt  }
0x84: {  	_ =	shalt  }
0x85: {  	_ =	shalt  }
0x86: {  	_ =	shalt  }
0x87: {  	_ =	shalt  }
.Lfunc_end0:
.L_simem_size_0:
called_computation_lowered:
.L_overlay_start_0:
0x88: {  	s2 =	sld [smem:$0x3FD9]  }
0x89: {  	s3 =	sld [smem:$0x3FFE];
	_ =	sdelay $0x1  }
0x8a: {  	s1 =	srdreg.scid  }
0x8b: {  	s0 =	sand.u32 $0x1, s1  }
0x8c: {  	s17 =	sshll.u32 s0, $0xA;
	s2 =	sadd.s32 s3, s2  }
0x8d: {  	s2 =	sadd.s32 s2, s17  }
0x8e: {  	[smem:$0x3FC6] =	sst s2  }
0x8f: {  	_ = 	snop  }
0x90: {  	s2 =	sld [smem:$0x3FC9]  }
0x91: {  	s18 =	sld [smem:$0x3FD0];
	(tm) =	ssettm $0x1  }
0x92: {  	s4 =	sld [smem:$0x3FFB];
	_ =	sdelay $0x3  }
0x93: {  	_ =	strace s4  }
0x94: {  	s4 =	sld [smem:$0x3FFC];
	_ =	sdelay $0x3  }
0x95: {  	_ =	strace s4  }
0x96: {  	s4 =	sld [smem:$0x3FFD];
	_ =	sdelay $0x3  }
0x97: {  	_ =	strace s4  }
0x98: {  	_ =	strace $0x8FFFFFFF  }
0x99: {  	s19 =	sld [smem:$0x3FDB];
	_ =	sdelay $0x1  }
0x9a: {  	s5 =	simm.s32 $_scs_section_size  }
0x9b: {  	s6 =	simm.s32 $_size__tile_overlayer_lowered;
	s7 =	simm.s32 $_tile_overlayer_lowered  }
0x9c: {  	s22 =	simm.s32 $0x1BFF;
	s21 =	sshll.u32 s7, $0x1;
	s4 =	sadd.s32 s5, s19  }
0x9d: {  	s8 =	simm.s32 $0x0;
	s20 =	sshll.u32 s6, $0x1;
	s6 =	sadd.s32 s21, s4  }
0x9e: {  	[timem:s8], [sflag:s22] =	dma.local [hbm:s6], s20  }
0x9f: {  	_ =	swait.ge [sflag:s22], s20  }
0xa0: {  	s5 =	ssub.s32 $0x0, s20;
	[sflag:s22] =	ssyncset.done $0x0  }
0xa1: {  	[sflag:s22] =	ssyncadd.s32 s5;
	_ =	sdelay $0x1  }
0xa2: {  	s23 =	simm.s32 $0x1B8B  }
0xa3: {  	_ =	swait.ge [sflag:s23], $0x1  }
0xa4: {  	[sflag:s23] =	ssyncset.done $0x0  }
0xa5: {  	s25 =	simm.s32 $0x1B8E;
	s24 =	sld [smem:$0x3FFE];
	[sflag:s23] =	ssyncadd.s32 $0xFFFFFFFF  }
0xa6: {  	s26 =	simm.s32 $execute0_lowered;
	[smem:$0x3FD2] =	sst s25  }
0xa7: {  	s6 =	sshll.u32 s26, $0x1;
	_ =	strace $0x80000046;
	[dreg:$0x1] =	wrdreg $0xFFFFFFFF  }
0xa8: {  	s28 =	simm.s32 $_size_execute0_lowered;
	s4 =	sadd.s32 s4, s6;
	[dreg:$0x0] =	wrdreg $0x0  }
0xa9: {  	s6 =	sshll.u32 s28, $0x1;
	[dreg:$0x2] =	wrdreg s4  }
0xaa: {  	[dreg:$0x3] =	wrdreg s6  }
0xab: {  	[dreg:$0x4] =	wrdreg $0xC0  }
0xac: {  	_ =	task [dreg:s8], $0x5FFFF  }
0xad: {  	[dreg:$0x1] =	wrdreg $0xFFFFFFFF  }
0xae: {  	[dreg:$0x0] =	wrdreg $0x60  }
0xaf: {  	[dreg:$0x2] =	wrdreg s24  }
0xb0: {  	[dreg:$0x3] =	wrdreg s2  }
0xb1: {  	[dreg:$0x4] =	wrdreg s18  }
0xb2: {  	[dreg:$0x5] =	wrdreg $0x9  }
0xb3: {  	_ =	task.clear_ibuf [dreg:s8], $0x6FFFF;
	_ =	strace $0x90000046  }
0xb4: {  	s29 =	simm.s32 $0x9;
	_ =	strace $0x80000048  }
0xb5: {  	_ =	swait.ge [sflag:s29], $0x1  }
0xb6: {  	[sflag:s29] =	ssyncadd.s32 $0xFFFFFFFF  }
0xb7: {  	_ =	strace $0x90000048  }
0xb8: {  	_ =	sfence  }
0xb9: {  	s30 =	sld [smem:$0x0];
	_ =	sdelay $0x2  }
0xba: {  	s31 =	sshll.u32 s1, $0xD;
	s1 =	sshrl.u32 s1, $0x2  }
0xbb: {  	s3 =	sand.u32 $0x4000, s31;
	s1 =	sadd.s32 s1, s30  }
0xbc: {  	s0 =	sor.u32 s3, s0;
	s1 =	sshll.u32 s1, $0x11  }
0xbd: {  	s0 =	sor.u32 s1, s0  }
0xbe: {  	s0 =	sadd.s32 $0x8F2B, s0  }
0xbf: {  	[sflag:s0] =	ssyncadd.remote.s32 $0x1  }
0xc0: {  	_ =	sfence.sel $0xFFFF  }
0xc1: {  	[dreg:$0x0] =	wrdreg $0xFFFFFFFF;
	(pc) =	sbr.abs _section_cstart, $3  }
0xc2: {  	[dreg:$0x1] =	wrdreg $0xFFFFFFFF  }
0xc3: {  	_ =	task.clear_ibuf [dreg:s8], $0x2FFFF;
	_ =	strace $0x9FFFFFFF  }
0xc4: {  	(tm) =	ssettm $0x7FFFFFFF  }
0xc5: {  	_ =	shalt  }
tec
execute0_lowered:
.L_overlay_start_1:
0x0: {  	(tag) =	ssettag $0x1  }
0x1: {  	s4 =	rddreg [dreg:$0x0]  }
0x2: {  	s5 =	rddreg [dreg:$0x1]  }
0x3: {  	s6 =	rddreg [dreg:$0x2];
	s18 =	simm.s32 $0x0  }
0x4: {  	[smem:$0x7FF] =	sst s18;
	s13 =	sadd.s32 $0x10, s4  }
0x5: {  	s14 =	sadd.s32 $0x20, s4;
	_ =	strace $0x80000047;
	[dreg:$0x4] =	wrdreg s13  }
0x6: {  	s0 =	srdreg.scid;
	s15 =	sadd.s32 $0x30, s4;
	[dreg:$0x5] =	wrdreg s14  }
0x7: {  	s3 =	stileid.u32;
	s17 =	sadd.s32 $0x40, s4;
	[dreg:$0x6] =	wrdreg s15  }
0x8: {  	s0 =	sand.u32 $0x1, s0;
	s19 =	sadd.s32 $0x50, s4;
	[dreg:$0x7] =	wrdreg s17  }
0x9: {  	s3 =	sshll.u32 s3, $0x1;
	s20 =	sadd.s32 $0x60, s4;
	[dreg:$0x8] =	wrdreg s19  }
0xa: {  	s21 =	sadd.s32 $0x70, s4;
	s7 =	sadd.s32 $0x80, s4;
	[dreg:$0x9] =	wrdreg s20  }
0xb: {  	s1 =	ssub.s32 $0x2, s0;
	s0 =	sor.u32 s0, s3;
	[dreg:$0xa] =	wrdreg s21  }
0xc: {  	s4 =	sadd.s32 $0x90, s4;
	[dreg:$0xb] =	wrdreg s7;
	s22 =	smul.u32 $0x3200, s0  }
0xd: {  	s30 =	simm.s32 $0x480;
	[dreg:$0xd] =	wrdreg s4;
	s23 =	smul.u32 $0x19, s0  }
0xe: {  	s21 =	simm.s32 $0x200;
	s19 =	simm.s32 $0x280;
	s20 =	simm.s32 $0x300  }
0xf: {  	s2 =	sshrl.u32 s1, $0x1;
	s3 =	sadd.s32 s5, s22;
	[dreg:$0xc] =	wrdreg s23  }
0x10: {  	s16 =	smul.u32 $0x19000, s0;
	s25 =	sadd.s32 $0x2, s23;
	[dreg:$0xe] =	wrdreg s3  }
0x11: {  	s1 =	ssub.s32 s1, s2;
	s26 =	sadd.s32 $0x1, s23;
	[dreg:$0x10] =	wrdreg s25  }
0x12: {  	s2 =	sshrl.u32 s16, $0x3;
	s29 =	sadd.s32 $0x3, s23;
	[dreg:$0x11] =	wrdreg s26  }
0x13: {  	s31 =	smax.u32 s1, $0x1;
	s23 =	simm.s32 $0x380;
	[dreg:$0x12] =	wrdreg s29  }
0x14: {  	s24 =	sadd.s32 s5, s2;
	s28 =	sadd.s32 s6, s2;
	[dreg:$0x14] =	wrdreg s31  }
0x15: {  	s25 =	simm.s32 $0x80;
	s5 =	simm.s32 $0x100;
	s0 =	sadd.s32 $0x200, s24  }
0x16: {  	s2 =	simm.s32 $0x0;
	[dreg:$0xf] =	wrdreg s0;
	s0 =	sadd.s32 $0x3000, s28  }
0x17: {  	s24 =	simm.s32 $0x180;
	[dreg:$0x13] =	wrdreg s0;
	s0 =	simm.s32 $0x400  }
.LBB2_1:
0x18: {  	[dreg:$0x15] =	wrdreg s2  }
0x19: {  	s1 =	rddreg [dreg:$0x0]  }
0x1a: {  	[tilespmem:s18], [sflag:$0x5] =	stream.linear.gather [hbm4b:s1+s18], $0x80, $0x38;
	[tilespmem:$0x16500] =	vst v63  }
0x1b: {  	s9 =	rddreg [dreg:$0x4]  }
0x1c: {  	[tilespmem:s25], [sflag:$0x5] =	stream.linear.gather [hbm4b:s9+s18], $0x80, $0x38;
	[tilespmem:$0x16500] =	vst v63  }
0x1d: {  	s10 =	rddreg [dreg:$0x5]  }
0x1e: {  	[tilespmem:s5], [sflag:$0x5] =	stream.linear.gather [hbm4b:s10+s18], $0x80, $0x38;
	[tilespmem:$0x16500] =	vst v63  }
0x1f: {  	s11 =	rddreg [dreg:$0x6]  }
0x20: {  	[tilespmem:s24], [sflag:$0x5] =	stream.linear.gather [hbm4b:s11+s18], $0x80, $0x38;
	[tilespmem:$0x16500] =	vst v63  }
0x21: {  	s12 =	rddreg [dreg:$0x7]  }
0x22: {  	[tilespmem:s21], [sflag:$0x5] =	stream.linear.gather [hbm4b:s12+s18], $0x80, $0x38;
	[tilespmem:$0x16500] =	vst v63  }
0x23: {  	s13 =	rddreg [dreg:$0x8]  }
0x24: {  	[tilespmem:s19], [sflag:$0x5] =	stream.linear.gather [hbm4b:s13+s18], $0x80, $0x38;
	[tilespmem:$0x16500] =	vst v63  }
0x25: {  	s14 =	rddreg [dreg:$0x9]  }
0x26: {  	[tilespmem:s20], [sflag:$0x5] =	stream.linear.gather [hbm4b:s14+s18], $0x80, $0x38;
	[tilespmem:$0x16500] =	vst v63  }
0x27: {  	s15 =	rddreg [dreg:$0xa]  }
0x28: {  	[tilespmem:s23], [sflag:$0x5] =	stream.linear.gather [hbm4b:s15+s18], $0x80, $0x38;
	[tilespmem:$0x16500] =	vst v63  }
0x29: {  	s16 =	rddreg [dreg:$0xb]  }
0x2a: {  	[tilespmem:s0], [sflag:$0x5] =	stream.linear.gather [hbm4b:s16+s18], $0x80, $0x38;
	[tilespmem:$0x16500] =	vst v63  }
0x2b: {  	s17 =	rddreg [dreg:$0xd]  }
0x2c: {  	[tilespmem:s30], [sflag:$0x5] =	stream.linear.gather [hbm4b:s17+s18], $0x80, $0x38;
	[tilespmem:$0x16500] =	vst v63  }
0x2d: {  	s22 =	rddreg [dreg:$0xe];
	s26 =	simm.s32 $0x500  }
0x2e: {  	[tilespmem:s26], [sflag:$0x1] =	stream.linear.gather [hbm4b:s22+s18], $0x1000, $0x38;
	[tilespmem:$0x16500] =	vst v63  }
0x2f: {  	s28 =	rddreg [dreg:$0xf];
	s29 =	simm.s32 $0x1500;
	s31 =	simm.s32 $0x5  }
0x30: {  	[tilespmem:s29], [sflag:$0x2] =	stream.linear.gather [hbm4b:s28+s18], $0x1000, $0x38;
	[tilespmem:$0x16500] =	vst v63  }
0x31: {  	_ =	swait.ge [sflag:s31], $0x80  }
0x32: {  	[sflag:s31] =	ssyncset.done $0x0  }
0x33: {  	[sflag:s31] =	ssyncadd.s32 $0xFFFFFF80  }
0x34: {  	_ =	swait.ge [sflag:s31], $0x80  }
0x35: {  	[sflag:s31] =	ssyncset.done $0x0  }
0x36: {  	[sflag:s31] =	ssyncadd.s32 $0xFFFFFF80  }
0x37: {  	_ =	swait.ge [sflag:s31], $0x80  }
0x38: {  	[sflag:s31] =	ssyncset.done $0x0  }
0x39: {  	[sflag:s31] =	ssyncadd.s32 $0xFFFFFF80  }
0x3a: {  	_ =	swait.ge [sflag:s31], $0x80  }
0x3b: {  	[sflag:s31] =	ssyncset.done $0x0  }
0x3c: {  	[sflag:s31] =	ssyncadd.s32 $0xFFFFFF80  }
0x3d: {  	_ =	swait.ge [sflag:s31], $0x80  }
0x3e: {  	[sflag:s31] =	ssyncset.done $0x0  }
0x3f: {  	[sflag:s31] =	ssyncadd.s32 $0xFFFFFF80  }
0x40: {  	_ =	swait.ge [sflag:s31], $0x80  }
0x41: {  	[sflag:s31] =	ssyncset.done $0x0  }
0x42: {  	[sflag:s31] =	ssyncadd.s32 $0xFFFFFF80  }
0x43: {  	_ =	swait.ge [sflag:s31], $0x80  }
0x44: {  	[sflag:s31] =	ssyncset.done $0x0  }
0x45: {  	[sflag:s31] =	ssyncadd.s32 $0xFFFFFF80  }
0x46: {  	_ =	swait.ge [sflag:s31], $0x80  }
0x47: {  	[sflag:s31] =	ssyncset.done $0x0  }
0x48: {  	[sflag:s31] =	ssyncadd.s32 $0xFFFFFF80  }
0x49: {  	_ =	swait.ge [sflag:s31], $0x80  }
0x4a: {  	[sflag:s31] =	ssyncset.done $0x0  }
0x4b: {  	[sflag:s31] =	ssyncadd.s32 $0xFFFFFF80  }
0x4c: {  	_ =	swait.ge [sflag:s31], $0x80  }
0x4d: {  	[sflag:s31] =	ssyncset.done $0x0  }
0x4e: {  	s26 =	simm.s32 $0x0;
	[sflag:s31] =	ssyncadd.s32 $0xFFFFFF80  }
.LBB2_2:
0x4f: {  	s1 =	simm.s32 $0x1  }
0x50: {  	_ =	swait.ge [sflag:s1], $0x1000  }
0x51: {  	p0 =	seq.s32 s26, $0x0;
	s7 =	simm.s32 $0x0;
	[sflag:s1] =	ssyncset.done $0x0  }
0x52: {  	s4 =	simm.s32 @!p0 $0x3;
	s2 =	sand.u32 $0x40, s7;
	[sflag:s1] =	ssyncadd.s32 $0xFFFFF000  }
0x53: {  	s3 =	sand.u32 $0xC00, s7;
	s1 =	sand.u32 $0x380, s7;
	_ =	swait.ge @!p0 [sflag:s4], $0xA000  }
0x54: {  	s3 =	sor.u32 s1, s3;
	s1 =	sor.u32 $0x30, s2;
	[sflag:s4] =	ssyncset.done @!p0 $0x0  }
0x55: {  	s6 =	sor.u32 s1, s3;
	[sflag:s4] =	ssyncadd.s32 @!p0 $0xFFFF6000  }
0x56: {  	s7 =	sor.u32 s2, s3;
	v7 =	vld [tilespmem:s6+$0x500]  }
0x57: {  	s10 =	sor.u32 $0x20, s2;
	v2 =	vld [tilespmem:s7+$0x500]  }
0x58: {  	s9 =	sor.u32 s10, s3;
	s4 =	sor.u32 $0x10, s2  }
0x59: {  	s8 =	sor.u32 s4, s3;
	v0 =	vld [tilespmem:s9+$0x500]  }
0x5a: {  	v1 =	vld [tilespmem:s8+$0x500];
	_ =	sdelay $0x3  }
0x5b: {  	v3 =	vld.idx.msk [tilespmem:v7+s18+$0x0], $0xffff  }
0x5c: {  	v4 =	vld.idx.msk [tilespmem:v2+s18+$0x0], $0xffff;
	_ =	sdelay $0x1  }
0x5d: {  	v6 =	vld.idx.msk [tilespmem:v0+s18+$0x0], $0xffff  }
0x5e: {  	v5 =	vld.idx.msk [tilespmem:v1+s18+$0x0], $0xffff  }
0x5f: {  	[tilespmem:s6+$0x2500] =	vst v3  }
0x60: {  	[tilespmem:s7+$0x2500] =	vst v4;
	v3 =	vld.idx.msk [tilespmem:v7+s25+$0x0], $0xffff  }
0x61: {  	v4 =	vld.idx.msk [tilespmem:v2+s25+$0x0], $0xffff  }
0x62: {  	[tilespmem:s9+$0x2500] =	vst v6  }
0x63: {  	[tilespmem:s8+$0x2500] =	vst v5;
	s8 =	sadd.s32 $0x3500, s3;
	v6 =	vld.idx.msk [tilespmem:v0+s25+$0x0], $0xffff  }
0x64: {  	v5 =	vld.idx.msk [tilespmem:v1+s25+$0x0], $0xffff;
	s11 =	sor.u32 s1, s8  }
0x65: {  	s12 =	sor.u32 s2, s8;
	[tilespmem:s11+$0x0] =	vst v3  }
0x66: {  	[tilespmem:s12+$0x0] =	vst v4;
	v3 =	vld.idx.msk [tilespmem:v7+s5+$0x0], $0xffff  }
0x67: {  	s6 =	sor.u32 s10, s8;
	v4 =	vld.idx.msk [tilespmem:v2+s5+$0x0], $0xffff  }
0x68: {  	s13 =	sor.u32 s4, s8;
	[tilespmem:s6+$0x0] =	vst v6  }
0x69: {  	s14 =	sadd.s32 $0x4500, s3;
	[tilespmem:s13+$0x0] =	vst v5;
	v6 =	vld.idx.msk [tilespmem:v0+s5+$0x0], $0xffff  }
0x6a: {  	s15 =	sor.u32 s1, s14;
	v5 =	vld.idx.msk [tilespmem:v1+s5+$0x0], $0xffff  }
0x6b: {  	s16 =	sor.u32 s2, s14;
	[tilespmem:s15+$0x0] =	vst v3  }
0x6c: {  	[tilespmem:s16+$0x0] =	vst v4;
	v3 =	vld.idx.msk [tilespmem:v7+s24+$0x0], $0xffff  }
0x6d: {  	s22 =	sor.u32 s10, s14;
	v4 =	vld.idx.msk [tilespmem:v2+s24+$0x0], $0xffff  }
0x6e: {  	s17 =	sor.u32 s4, s14;
	[tilespmem:s22+$0x0] =	vst v6  }
0x6f: {  	s31 =	sadd.s32 $0x5500, s3;
	s14 =	simm.s32 $0x10;
	[tilespmem:s17+$0x0] =	vst v5;
	v6 =	vld.idx.msk [tilespmem:v0+s24+$0x0], $0xffff  }
0x70: {  	s9 =	sor.u32 s2, s31;
	s8 =	sor.u32 s1, s31;
	s13 =	simm.s32 $0x200;
	v5 =	vld.idx.msk [tilespmem:v1+s24+$0x0], $0xffff  }
0x71: {  	s12 =	simm.s32 $0x40;
	s15 =	sand.u32 $0xC00, s13;
	s16 =	sand.u32 $0x380, s14;
	[tilespmem:s8+$0x0] =	vst v3  }
0x72: {  	s22 =	sand.u32 $0x40, s12;
	s15 =	sor.u32 s16, s15;
	[tilespmem:s9+$0x0] =	vst v4;
	v3 =	vld.idx.msk [tilespmem:v7+s21+$0x0], $0xffff  }
0x73: {  	s7 =	sor.u32 s10, s31;
	s6 =	sor.u32 $0x10, s22;
	s8 =	sor.u32 s22, s15;
	v4 =	vld.idx.msk [tilespmem:v2+s21+$0x0], $0xffff  }
0x74: {  	s11 =	sor.u32 s4, s31;
	[tilespmem:s7+$0x0] =	vst v6;
	s9 =	sor.u32 s6, s15;
	v6 =	vld [tilespmem:s8+$0x500]  }
0x75: {  	[tilespmem:s11+$0x0] =	vst v5;
	v5 =	vld [tilespmem:s9+$0x500]  }
0x76: {  	s13 =	sor.u32 $0x30, s22;
	s11 =	sadd.s32 $0x6500, s3;
	v8 =	vld.idx.msk [tilespmem:v1+s21+$0x0], $0xffff  }
0x77: {  	s16 =	sor.u32 $0x20, s22;
	s7 =	sor.u32 s13, s15;
	v9 =	vld.idx.msk [tilespmem:v0+s21+$0x0], $0xffff;
	s17 =	sor.u32 s1, s11  }
0x78: {  	s12 =	sor.u32 s16, s15;
	s14 =	sor.u32 s2, s11;
	[tilespmem:s17+$0x0] =	vst v3;
	v3 =	vld [tilespmem:s7+$0x500]  }
0x79: {  	[tilespmem:s14+$0x0] =	vst v4;
	v4 =	vld [tilespmem:s12+$0x500]  }
0x7a: {  	s17 =	sor.u32 s4, s11;
	v10 =	vld.idx.msk [tilespmem:v7+s19+$0x0], $0xffff  }
0x7b: {  	[tilespmem:s17+$0x0] =	vst v8;
	v8 =	vld.idx.msk [tilespmem:v2+s19+$0x0], $0xffff  }
0x7c: {  	v11 =	vld.idx.msk [tilespmem:v1+s19+$0x0], $0xffff  }
0x7d: {  	s14 =	sadd.s32 $0x7500, s3;
	s11 =	sor.u32 s10, s11;
	v13 =	vld.idx.msk [tilespmem:v6+s18+$0x0], $0xffff  }
0x7e: {  	s31 =	sor.u32 s1, s14;
	[tilespmem:s11+$0x0] =	vst v9;
	v14 =	vld.idx.msk [tilespmem:v5+s18+$0x0], $0xffff  }
0x7f: {  	[tilespmem:s31+$0x0] =	vst v10;
	v10 =	vld.idx.msk [tilespmem:v0+s19+$0x0], $0xffff  }
0x80: {  	s17 =	sor.u32 s2, s14;
	v9 =	vld.idx.msk [tilespmem:v7+s20+$0x0], $0xffff  }
0x81: {  	s19 =	sor.u32 s4, s14;
	[tilespmem:s17+$0x0] =	vst v8;
	v12 =	vld.idx.msk [tilespmem:v3+s18+$0x0], $0xffff  }
0x82: {  	[tilespmem:s19+$0x0] =	vst v11;
	v8 =	vld.idx.msk [tilespmem:v4+s18+$0x0], $0xffff  }
0x83: {  	v11 =	vld.idx.msk [tilespmem:v1+s20+$0x0], $0xffff;
	[tilespmem:s8+$0x2500] =	vst v13  }
0x84: {  	s11 =	sadd.s32 $0x8500, s3;
	s14 =	sor.u32 s10, s14;
	[tilespmem:s9+$0x2500] =	vst v14;
	v13 =	vld.idx.msk [tilespmem:v6+s25+$0x0], $0xffff  }
0x85: {  	s31 =	sor.u32 s1, s11;
	v14 =	vld.idx.msk [tilespmem:v5+s25+$0x0], $0xffff;
	[tilespmem:s14+$0x0] =	vst v10  }
0x86: {  	[tilespmem:s31+$0x0] =	vst v9;
	v9 =	vld.idx.msk [tilespmem:v2+s20+$0x0], $0xffff  }
0x87: {  	v10 =	vld.idx.msk [tilespmem:v7+s23+$0x0], $0xffff;
	[tilespmem:s7+$0x2500] =	vst v12  }
0x88: {  	s19 =	sadd.s32 $0x3500, s15;
	s18 =	sor.u32 s4, s11;
	[tilespmem:s12+$0x2500] =	vst v8;
	v12 =	vld.idx.msk [tilespmem:v3+s25+$0x0], $0xffff  }
0x89: {  	[tilespmem:s18+$0x0] =	vst v11;
	v8 =	vld.idx.msk [tilespmem:v4+s25+$0x0], $0xffff;
	s25 =	sor.u32 s22, s19  }
0x8a: {  	s8 =	sadd.s32 $0x9500, s3;
	s14 =	sor.u32 s2, s11;
	[tilespmem:s25+$0x0] =	vst v13  }
0x8b: {  	s17 =	sor.u32 s1, s8;
	v13 =	vld.idx.msk [tilespmem:v6+s5+$0x0], $0xffff;
	[tilespmem:s14+$0x0] =	vst v9  }
0x8c: {  	s31 =	sor.u32 s6, s19;
	v9 =	vld.idx.msk [tilespmem:v0+s20+$0x0], $0xffff;
	[tilespmem:s17+$0x0] =	vst v10  }
0x8d: {  	[tilespmem:s31+$0x0] =	vst v14;
	s20 =	sor.u32 s13, s19;
	v10 =	vld.idx.msk [tilespmem:v7+s0+$0x0], $0xffff  }
0x8e: {  	v14 =	vld.idx.msk [tilespmem:v5+s5+$0x0], $0xffff;
	s14 =	sor.u32 s16, s19;
	[tilespmem:s20+$0x0] =	vst v12;
	s20 =	sadd.s32 $0x4500, s15  }
0x8f: {  	v11 =	vld.idx.msk [tilespmem:v2+s23+$0x0], $0xffff;
	[tilespmem:s14+$0x0] =	vst v8;
	s31 =	sor.u32 s22, s20  }
0x90: {  	s9 =	sadd.s32 $0xA500, s3;
	s17 =	sor.u32 s10, s11;
	v12 =	vld.idx.msk [tilespmem:v3+s5+$0x0], $0xffff;
	[tilespmem:s31+$0x0] =	vst v13  }
0x91: {  	s18 =	sor.u32 s1, s9;
	v8 =	vld.idx.msk [tilespmem:v4+s5+$0x0], $0xffff;
	[tilespmem:s17+$0x0] =	vst v9  }
0x92: {  	s5 =	sor.u32 s6, s20;
	v9 =	vld.idx.msk [tilespmem:v1+s23+$0x0], $0xffff;
	[tilespmem:s18+$0x0] =	vst v10  }
0x93: {  	s19 =	sor.u32 s2, s8;
	[tilespmem:s5+$0x0] =	vst v14;
	v7 =	vld.idx.msk [tilespmem:v7+s30+$0x0], $0xffff  }
0x94: {  	s25 =	sor.u32 s13, s20;
	v13 =	vld.idx.msk [tilespmem:v5+s24+$0x0], $0xffff;
	[tilespmem:s19+$0x0] =	vst v11  }
0x95: {  	s14 =	sor.u32 s16, s20;
	v10 =	vld.idx.msk [tilespmem:v0+s23+$0x0], $0xffff;
	[tilespmem:s25+$0x0] =	vst v12  }
0x96: {  	s3 =	sadd.s32 $0xB500, s3;
	s17 =	sor.u32 s4, s8;
	v15 =	vld.idx.msk [tilespmem:v2+s0+$0x0], $0xffff;
	[tilespmem:s14+$0x0] =	vst v8  }
0x97: {  	s1 =	sor.u32 s1, s3;
	v12 =	vld.idx.msk [tilespmem:v6+s24+$0x0], $0xffff;
	[tilespmem:s17+$0x0] =	vst v9  }
0x98: {  	v11 =	vld.idx.msk [tilespmem:v3+s24+$0x0], $0xffff;
	[tilespmem:s1+$0x0] =	vst v7  }
0x99: {  	s18 =	sor.u32 s10, s8;
	v14 =	vld.idx.msk [tilespmem:v4+s24+$0x0], $0xffff;
	[dreg:$0x16] =	wrdreg s26  }
0x9a: {  	[tilespmem:s18+$0x0] =	vst v10  }
0x9b: {  	s20 =	sshll.u32 s26, $0x1;
	s24 =	rddreg [dreg:$0xc]  }
0x9c: {  	s19 =	sadd.s32 $0x5500, s15;
	v8 =	vld.idx.msk [tilespmem:v1+s0+$0x0], $0xffff;
	[dreg:$0x17] =	wrdreg s20;
	s5 =	sadd.s32 s24, s20  }
0x9d: {  	s28 =	simm.s32 $0x100;
	s23 =	sor.u32 s13, s19;
	[dreg:$0x18] =	wrdreg s5  }
0x9e: {  	s29 =	simm.s32 $0x280;
	s12 =	simm.s32 $0x4;
	s25 =	sor.u32 s22, s19;
	[tilespmem:s23+$0x0] =	vst v11;
	v7 =	vld.idx.msk [tilespmem:v0+s0+$0x0], $0xffff  }
0x9f: {  	s11 =	sor.u32 s10, s9;
	s31 =	sor.u32 s16, s19;
	s30 =	sor.u32 s6, s19;
	[tilespmem:s25+$0x0] =	vst v12;
	v12 =	vld.idx.msk [tilespmem:v3+s21+$0x0], $0xffff  }
0xa0: {  	s19 =	sor.u32 s2, s3;
	s17 =	sor.u32 s4, s9;
	s26 =	sor.u32 s2, s9;
	[tilespmem:s30+$0x0] =	vst v13;
	v10 =	vld.idx.msk [tilespmem:v6+s21+$0x0], $0xffff  }
0xa1: {  	s2 =	simm.s32 $0x20;
	s20 =	sor.u32 s4, s3;
	s3 =	sor.u32 s10, s3;
	[tilespmem:s31+$0x0] =	vst v14;
	v11 =	vld.idx.msk [tilespmem:v5+s21+$0x0], $0xffff  }
0xa2: {  	s4 =	simm.s32 $0x80;
	s10 =	simm.s32 $0x400;
	[tilespmem:s26+$0x0] =	vst v15;
	s26 =	simm.s32 $0x0;
	v9 =	vld.idx.msk [tilespmem:v4+s21+$0x0], $0xffff  }
.LBB2_3:
0xa3: {  	s0 =	simm.s32 $0x480  }
0xa4: {  	s14 =	sand.u32 $0x40, s4;
	s1 =	sand.u32 $0xC00, s10;
	s21 =	sadd.s32 $0x6500, s15;
	[tilespmem:s17+$0x0] =	vst v8;
	v13 =	vld.idx.msk [tilespmem:v2+s0+$0x0], $0xffff;
	v2 =	vmov v6  }
0xa5: {  	s7 =	sand.u32 $0x380, s2;
	s12 =	sadd.s32 $0x4, s12;
	s8 =	sor.u32 s13, s21;
	v8 =	vld.idx.msk [tilespmem:v1+s0+$0x0], $0xffff;
	[tilespmem:s11+$0x0] =	vst v7;
	v1 =	vmov v5  }
0xa6: {  	s7 =	sor.u32 s7, s1;
	s18 =	sor.u32 $0x30, s14;
	p1 =	slt.u32 s12, $0xFC;
	[tilespmem:s8+$0x0] =	vst v12;
	v7 =	vld.idx.msk [tilespmem:v0+s0+$0x0], $0xffff;
	v0 =	vmov v4  }
0xa7: {  	s9 =	sor.u32 $0x20, s14;
	s11 =	sor.u32 s18, s7;
	s8 =	sor.u32 $0x10, s14;
	v12 =	vld.idx.msk [tilespmem:v3+s29+$0x0], $0xffff  }
0xa8: {  	s17 =	sor.u32 s14, s7;
	s1 =	sor.u32 s9, s7;
	s5 =	sor.u32 s8, s7;
	v14 =	vld [tilespmem:s11+$0x500]  }
0xa9: {  	s23 =	sor.u32 s22, s21;
	s24 =	sor.u32 s6, s21;
	s21 =	sor.u32 s16, s21;
	v6 =	vld [tilespmem:s17+$0x500]  }
0xaa: {  	v5 =	vld [tilespmem:s5+$0x500];
	[tilespmem:s23+$0x0] =	vst v10  }
0xab: {  	s23 =	sadd.s32 $0x7500, s15;
	v4 =	vld [tilespmem:s1+$0x500];
	[tilespmem:s24+$0x0] =	vst v11  }
0xac: {  	s24 =	sor.u32 s22, s23;
	s25 =	sor.u32 s6, s23;
	v10 =	vld.idx.msk [tilespmem:v2+s29+$0x0], $0xffff;
	[tilespmem:s21+$0x0] =	vst v9;
	s21 =	sor.u32 s13, s23  }
0xad: {  	s31 =	simm.s32 $0x300;
	s23 =	sor.u32 s16, s23;
	v9 =	vld.idx.msk [tilespmem:v1+s29+$0x0], $0xffff;
	[tilespmem:s21+$0x0] =	vst v12  }
0xae: {  	v11 =	vld.idx.msk [tilespmem:v3+s31+$0x0], $0xffff;
	[tilespmem:s19+$0x0] =	vst v13  }
0xaf: {  	v12 =	vld.idx.msk [tilespmem:v0+s29+$0x0], $0xffff;
	[tilespmem:s20+$0x0] =	vst v8  }
0xb0: {  	v8 =	vld.idx.msk [tilespmem:v14+s26+$0x0], $0xffff;
	[tilespmem:s3+$0x0] =	vst v7  }
0xb1: {  	s3 =	sadd.s32 $0x8500, s15;
	v7 =	vld.idx.msk [tilespmem:v6+s26+$0x0], $0xffff  }
0xb2: {  	s19 =	sor.u32 s22, s3;
	v13 =	vld.idx.msk [tilespmem:v5+s26+$0x0], $0xffff;
	[tilespmem:s24+$0x0] =	vst v10  }
0xb3: {  	s20 =	sor.u32 s6, s3;
	s21 =	sor.u32 s13, s3;
	v10 =	vld.idx.msk [tilespmem:v4+s26+$0x0], $0xffff;
	[tilespmem:s25+$0x0] =	vst v9;
	s25 =	simm.s32 $0x80  }
0xb4: {  	s30 =	simm.s32 $0x380;
	s24 =	sor.u32 s16, s3;
	v9 =	vld.idx.msk [tilespmem:v2+s31+$0x0], $0xffff;
	[tilespmem:s21+$0x0] =	vst v11  }
0xb5: {  	[tilespmem:s23+$0x0] =	vst v12;
	v11 =	vld.idx.msk [tilespmem:v3+s30+$0x0], $0xffff  }
0xb6: {  	[tilespmem:s11+$0x2500] =	vst v8;
	v8 =	vld.idx.msk [tilespmem:v1+s31+$0x0], $0xffff  }
0xb7: {  	[tilespmem:s17+$0x2500] =	vst v7;
	v7 =	vld.idx.msk [tilespmem:v14+s25+$0x0], $0xffff  }
0xb8: {  	v12 =	vld.idx.msk [tilespmem:v6+s25+$0x0], $0xffff;
	[tilespmem:s5+$0x2500] =	vst v13  }
0xb9: {  	v13 =	vld.idx.msk [tilespmem:v5+s25+$0x0], $0xffff;
	[tilespmem:s1+$0x2500] =	vst v10;
	s1 =	sadd.s32 $0x9500, s15  }
0xba: {  	v10 =	vld.idx.msk [tilespmem:v4+s25+$0x0], $0xffff;
	[tilespmem:s19+$0x0] =	vst v9;
	s5 =	sor.u32 s22, s1;
	s3 =	sor.u32 s6, s1;
	s11 =	sor.u32 s13, s1  }
0xbb: {  	s17 =	sadd.s32 $0x3500, s7;
	s21 =	sor.u32 s16, s1;
	v9 =	vld.idx.msk [tilespmem:v0+s31+$0x0], $0xffff;
	[tilespmem:s11+$0x0] =	vst v11;
	s31 =	simm.s32 $0x400  }
0xbc: {  	s1 =	sor.u32 s14, s17;
	s19 =	sor.u32 s18, s17;
	s11 =	sor.u32 s8, s17;
	[tilespmem:s20+$0x0] =	vst v8;
	v8 =	vld.idx.msk [tilespmem:v3+s31+$0x0], $0xffff  }
0xbd: {  	s17 =	sor.u32 s9, s17;
	[tilespmem:s19+$0x0] =	vst v7;
	v7 =	vld.idx.msk [tilespmem:v2+s30+$0x0], $0xffff  }
0xbe: {  	[tilespmem:s1+$0x0] =	vst v12;
	v11 =	vld.idx.msk [tilespmem:v14+s28+$0x0], $0xffff  }
0xbf: {  	v12 =	vld.idx.msk [tilespmem:v6+s28+$0x0], $0xffff;
	[tilespmem:s11+$0x0] =	vst v13  }
0xc0: {  	s11 =	sadd.s32 $0xA500, s15;
	v13 =	vld.idx.msk [tilespmem:v5+s28+$0x0], $0xffff;
	[tilespmem:s17+$0x0] =	vst v10  }
0xc1: {  	s1 =	sor.u32 s22, s11;
	s17 =	sor.u32 s6, s11;
	s19 =	sor.u32 s13, s11;
	v10 =	vld.idx.msk [tilespmem:v4+s28+$0x0], $0xffff;
	[tilespmem:s24+$0x0] =	vst v9  }
0xc2: {  	s20 =	sadd.s32 $0x4500, s7;
	s11 =	sor.u32 s16, s11;
	v9 =	vld.idx.msk [tilespmem:v1+s30+$0x0], $0xffff;
	[tilespmem:s19+$0x0] =	vst v8  }
0xc3: {  	s23 =	sor.u32 s8, s20;
	s24 =	sor.u32 s18, s20;
	s19 =	sor.u32 s14, s20;
	[tilespmem:s5+$0x0] =	vst v7;
	v7 =	vld.idx.msk [tilespmem:v3+s0+$0x0], $0xffff;
	v3 =	vmov v14  }
0xc4: {  	s5 =	sor.u32 s9, s20;
	[tilespmem:s24+$0x0] =	vst v11;
	s24 =	simm.s32 $0x180;
	v11 =	vld.idx.msk [tilespmem:v0+s30+$0x0], $0xffff  }
0xc5: {  	[tilespmem:s19+$0x0] =	vst v12;
	v12 =	vld.idx.msk [tilespmem:v14+s24+$0x0], $0xffff  }
0xc6: {  	v14 =	vld.idx.msk [tilespmem:v6+s24+$0x0], $0xffff;
	[tilespmem:s23+$0x0] =	vst v13  }
0xc7: {  	[tilespmem:s5+$0x0] =	vst v10;
	s5 =	sadd.s32 $0xB500, s15  }
0xc8: {  	v13 =	vld.idx.msk [tilespmem:v5+s24+$0x0], $0xffff;
	s15 =	smov.u32 s7;
	s19 =	sor.u32 s22, s5;
	s20 =	sor.u32 s6, s5  }
0xc9: {  	v15 =	vld.idx.msk [tilespmem:v4+s24+$0x0], $0xffff;
	[tilespmem:s3+$0x0] =	vst v9;
	s6 =	sor.u32 s13, s5;
	s7 =	sadd.s32 $0x5500, s15;
	s22 =	smov.u32 s14  }
0xca: {  	s3 =	sor.u32 s16, s5;
	v16 =	vld.idx.msk [tilespmem:v2+s31+$0x0], $0xffff;
	[tilespmem:s6+$0x0] =	vst v7;
	s5 =	sor.u32 s22, s7  }
0xcb: {  	s14 =	sor.u32 s8, s7;
	s6 =	sor.u32 s18, s7;
	v8 =	vld.idx.msk [tilespmem:v1+s31+$0x0], $0xffff;
	[tilespmem:s21+$0x0] =	vst v11;
	s21 =	simm.s32 $0x200  }
.Ltmp0:
0xcc: {  	s13 =	smov.u32 s18;
	s7 =	sor.u32 s9, s7;
	[tilespmem:s6+$0x0] =	vst v12;
	v7 =	vld.idx.msk [tilespmem:v0+s31+$0x0], $0xffff;
	(pc) =	sbr.rel @p1 .LBB2_3-.Ltmp0, $4  }
0xcd: {  	s16 =	smov.u32 s9;
	s6 =	smov.u32 s8;
	[tilespmem:s5+$0x0] =	vst v14;
	v12 =	vld.idx.msk [tilespmem:v3+s21+$0x0], $0xffff  }
0xce: {  	v10 =	vld.idx.msk [tilespmem:v6+s21+$0x0], $0xffff;
	[tilespmem:s14+$0x0] =	vst v13  }
0xcf: {  	v11 =	vld.idx.msk [tilespmem:v5+s21+$0x0], $0xffff;
	[tilespmem:s7+$0x0] =	vst v15  }
0xd0: {  	s4 =	sadd.s32 $0x40, s4;
	s10 =	sadd.s32 $0x200, s10;
	s2 =	sadd.s32 $0x10, s2;
	v9 =	vld.idx.msk [tilespmem:v4+s21+$0x0], $0xffff;
	[tilespmem:s1+$0x0] =	vst v16  }
0xd1: {  	_ = 	snop  }
0xd2: {  	s1 =	sadd.s32 $0x6500, s15  }
0xd3: {  	s2 =	sor.u32 s13, s1  }
0xd4: {  	s8 =	sor.u32 s22, s1;
	[tilespmem:s2+$0x0] =	vst v12  }
0xd5: {  	s4 =	sor.u32 s6, s1;
	[tilespmem:s8+$0x0] =	vst v10;
	v12 =	vld.idx.msk [tilespmem:v3+s29+$0x0], $0xffff  }
0xd6: {  	s1 =	sor.u32 s16, s1;
	[tilespmem:s4+$0x0] =	vst v11;
	v10 =	vld.idx.msk [tilespmem:v6+s29+$0x0], $0xffff  }
0xd7: {  	[tilespmem:s1+$0x0] =	vst v9;
	v9 =	vld.idx.msk [tilespmem:v5+s29+$0x0], $0xffff  }
0xd8: {  	s9 =	sadd.s32 $0x7500, s15;
	v11 =	vld.idx.msk [tilespmem:v4+s29+$0x0], $0xffff  }
0xd9: {  	s10 =	sor.u32 s13, s9  }
0xda: {  	s30 =	simm.s32 $0x300;
	s12 =	sor.u32 s22, s9;
	[tilespmem:s10+$0x0] =	vst v12  }
0xdb: {  	s14 =	sor.u32 s6, s9;
	[tilespmem:s12+$0x0] =	vst v10;
	v12 =	vld.idx.msk [tilespmem:v3+s30+$0x0], $0xffff  }
0xdc: {  	s1 =	sor.u32 s16, s9;
	[tilespmem:s14+$0x0] =	vst v9;
	v9 =	vld.idx.msk [tilespmem:v6+s30+$0x0], $0xffff  }
0xdd: {  	[tilespmem:s1+$0x0] =	vst v11;
	v10 =	vld.idx.msk [tilespmem:v5+s30+$0x0], $0xffff  }
0xde: {  	s18 =	sadd.s32 $0x8500, s15;
	v11 =	vld.idx.msk [tilespmem:v4+s30+$0x0], $0xffff  }
0xdf: {  	s23 =	sor.u32 s13, s18  }
0xe0: {  	s31 =	sor.u32 s22, s18;
	[tilespmem:s23+$0x0] =	vst v12;
	s23 =	simm.s32 $0x380  }
0xe1: {  	s0 =	sor.u32 s6, s18;
	[tilespmem:s31+$0x0] =	vst v9;
	v12 =	vld.idx.msk [tilespmem:v3+s23+$0x0], $0xffff  }
0xe2: {  	s1 =	sor.u32 s16, s18;
	[tilespmem:s0+$0x0] =	vst v10;
	v9 =	vld.idx.msk [tilespmem:v6+s23+$0x0], $0xffff  }
0xe3: {  	[tilespmem:s1+$0x0] =	vst v11;
	v10 =	vld.idx.msk [tilespmem:v5+s23+$0x0], $0xffff  }
0xe4: {  	s5 =	sadd.s32 $0x9500, s15;
	v11 =	vld.idx.msk [tilespmem:v4+s23+$0x0], $0xffff  }
0xe5: {  	[tilespmem:s17+$0x0] =	vst v8;
	s7 =	sor.u32 s13, s5;
	s18 =	simm.s32 $0x480  }
0xe6: {  	s8 =	sor.u32 s22, s5;
	v2 =	vld.idx.msk [tilespmem:v2+s18+$0x0], $0xffff;
	s0 =	simm.s32 $0x400;
	[tilespmem:s7+$0x0] =	vst v12  }
0xe7: {  	s9 =	sor.u32 s6, s5;
	[tilespmem:s8+$0x0] =	vst v9;
	v8 =	vld.idx.msk [tilespmem:v3+s0+$0x0], $0xffff  }
0xe8: {  	s1 =	sor.u32 s16, s5;
	[tilespmem:s9+$0x0] =	vst v10;
	v9 =	vld.idx.msk [tilespmem:v6+s0+$0x0], $0xffff  }
0xe9: {  	v10 =	vld.idx.msk [tilespmem:v5+s0+$0x0], $0xffff;
	[tilespmem:s1+$0x0] =	vst v11  }
0xea: {  	[tilespmem:s11+$0x0] =	vst v7;
	s10 =	sadd.s32 $0xA500, s15;
	v7 =	vld.idx.msk [tilespmem:v4+s0+$0x0], $0xffff  }
0xeb: {  	s11 =	sor.u32 s13, s10;
	v1 =	vld.idx.msk [tilespmem:v1+s18+$0x0], $0xffff;
	[tilespmem:s19+$0x0] =	vst v2  }
0xec: {  	s12 =	sor.u32 s22, s10;
	v0 =	vld.idx.msk [tilespmem:v0+s18+$0x0], $0xffff;
	[tilespmem:s11+$0x0] =	vst v8  }
0xed: {  	s14 =	sor.u32 s6, s10;
	[tilespmem:s12+$0x0] =	vst v9;
	v2 =	vld.idx.msk [tilespmem:v3+s18+$0x0], $0xffff  }
0xee: {  	s1 =	sor.u32 s16, s10;
	v3 =	vld.idx.msk [tilespmem:v6+s18+$0x0], $0xffff;
	[tilespmem:s14+$0x0] =	vst v10  }
0xef: {  	v5 =	vld.idx.msk [tilespmem:v5+s18+$0x0], $0xffff;
	[tilespmem:s1+$0x0] =	vst v7  }
0xf0: {  	s17 =	sadd.s32 $0xB500, s15;
	[tilespmem:s20+$0x0] =	vst v1;
	v1 =	vld.idx.msk [tilespmem:v4+s18+$0x0], $0xffff  }
0xf1: {  	[tilespmem:s3+$0x0] =	vst v0;
	s19 =	sor.u32 s13, s17  }
0xf2: {  	s20 =	sor.u32 s22, s17;
	[tilespmem:s19+$0x0] =	vst v2  }
0xf3: {  	s22 =	sor.u32 s6, s17;
	[tilespmem:s20+$0x0] =	vst v3  }
0xf4: {  	s31 =	rddreg [dreg:$0x2];
	s1 =	sor.u32 s16, s17;
	[tilespmem:s22+$0x0] =	vst v5  }
0xf5: {  	s4 =	simm.s32 $0x320000;
	s2 =	rddreg [dreg:$0x18];
	[tilespmem:s1+$0x0] =	vst v1  }
0xf6: {  	s3 =	simm.s32 $0x1000;
	s2 =	sshll.u32 s2, $0x9;
	s6 =	rddreg [dreg:$0x10]  }
0xf7: {  	s5 =	simm.s32 $0x2500;
	s17 =	rddreg [dreg:$0x17];
	s1 =	sadd.s32 s31, s2  }
0xf8: {  	[hbm4b:s1+s3] =	stream.strided.scatter [tilespmem:s5], [sflag:$0x3], $0xA000, s4, s3, $0x38;
	[tilespmem:$0x16500] =	vst v63  }
0xf9: {  	s1 =	sadd.s32 s17, s6  }
0xfa: {  	s1 =	sshll.u32 s1, $0x9  }
0xfb: {  	s7 =	rddreg [dreg:$0x1];
	s1 =	sand.u32 $0xFFFFE00, s1  }
0xfc: {  	s8 =	simm.s32 $0x500;
	s9 =	simm.s32 $0x2;
	s1 =	sadd.s32 s7, s1  }
0xfd: {  	[tilespmem:s8], [sflag:$0x1] =	stream.linear.gather [hbm4b:s1+s26], $0x1000, $0x38;
	[tilespmem:$0x16500] =	vst v63  }
0xfe: {  	_ =	swait.ge [sflag:s9], $0x1000  }
0xff: {  	s10 =	simm.s32 $0x0;
	[sflag:s9] =	ssyncset.done $0x0  }
0x100: {  	s11 =	sand.u32 $0xC00, s10;
	s4 =	simm.s32 @!p0 $0x4;
	[sflag:s9] =	ssyncadd.s32 $0xFFFFF000  }
0x101: {  	s2 =	sand.u32 $0x40, s10;
	s1 =	sand.u32 $0x380, s10;
	_ =	swait.ge @!p0 [sflag:s4], $0xA000  }
0x102: {  	s3 =	sor.u32 s1, s11;
	s1 =	sor.u32 $0x30, s2;
	[sflag:s4] =	ssyncset.done @!p0 $0x0  }
0x103: {  	s10 =	sor.u32 $0x20, s2;
	s5 =	sor.u32 s1, s3;
	[sflag:s4] =	ssyncadd.s32 @!p0 $0xFFFF6000  }
0x104: {  	s8 =	sor.u32 s10, s3;
	v7 =	vld [tilespmem:s5+$0x1500]  }
0x105: {  	s12 =	sor.u32 s2, s3;
	s4 =	sor.u32 $0x10, s2;
	v0 =	vld [tilespmem:s8+$0x1500]  }
0x106: {  	s7 =	sor.u32 s4, s3;
	v2 =	vld [tilespmem:s12+$0x1500]  }
0x107: {  	v1 =	vld [tilespmem:s7+$0x1500];
	_ =	sdelay $0x4  }
0x108: {  	v3 =	vld.idx.msk [tilespmem:v7+s26+$0x0], $0xffff  }
0x109: {  	v6 =	vld.idx.msk [tilespmem:v0+s26+$0x0], $0xffff  }
0x10a: {  	v4 =	vld.idx.msk [tilespmem:v2+s26+$0x0], $0xffff  }
0x10b: {  	v5 =	vld.idx.msk [tilespmem:v1+s26+$0x0], $0xffff;
	_ =	sdelay $0x1  }
0x10c: {  	[tilespmem:s5+$0xC500] =	vst v3  }
0x10d: {  	[tilespmem:s8+$0xC500] =	vst v6;
	v3 =	vld.idx.msk [tilespmem:v7+s25+$0x0], $0xffff  }
0x10e: {  	[tilespmem:s12+$0xC500] =	vst v4;
	v6 =	vld.idx.msk [tilespmem:v0+s25+$0x0], $0xffff  }
0x10f: {  	v4 =	vld.idx.msk [tilespmem:v2+s25+$0x0], $0xffff;
	[tilespmem:s7+$0xC500] =	vst v5  }
0x110: {  	s13 =	sadd.s32 $0xD500, s3;
	v5 =	vld.idx.msk [tilespmem:v1+s25+$0x0], $0xffff  }
0x111: {  	s14 =	sor.u32 s1, s13  }
0x112: {  	s5 =	sor.u32 s10, s13;
	[tilespmem:s14+$0x0] =	vst v3  }
0x113: {  	s15 =	sor.u32 s2, s13;
	[tilespmem:s5+$0x0] =	vst v6;
	v3 =	vld.idx.msk [tilespmem:v7+s28+$0x0], $0xffff  }
0x114: {  	s16 =	sor.u32 s4, s13;
	[tilespmem:s15+$0x0] =	vst v4;
	v6 =	vld.idx.msk [tilespmem:v0+s28+$0x0], $0xffff  }
0x115: {  	v4 =	vld.idx.msk [tilespmem:v2+s28+$0x0], $0xffff;
	[tilespmem:s16+$0x0] =	vst v5  }
0x116: {  	s19 =	sadd.s32 $0xE500, s3;
	v5 =	vld.idx.msk [tilespmem:v1+s28+$0x0], $0xffff  }
0x117: {  	s20 =	sor.u32 s1, s19  }
0x118: {  	s8 =	sor.u32 s10, s19;
	[tilespmem:s20+$0x0] =	vst v3  }
0x119: {  	s22 =	sor.u32 s2, s19;
	[tilespmem:s8+$0x0] =	vst v6;
	v3 =	vld.idx.msk [tilespmem:v7+s24+$0x0], $0xffff  }
0x11a: {  	s31 =	sor.u32 s4, s19;
	[tilespmem:s22+$0x0] =	vst v4;
	v6 =	vld.idx.msk [tilespmem:v0+s24+$0x0], $0xffff  }
0x11b: {  	s9 =	sadd.s32 $0xF500, s3;
	s15 =	simm.s32 $0x200;
	s16 =	simm.s32 $0x10;
	v4 =	vld.idx.msk [tilespmem:v2+s24+$0x0], $0xffff;
	[tilespmem:s31+$0x0] =	vst v5  }
0x11c: {  	s14 =	simm.s32 $0x40;
	s19 =	sand.u32 $0xC00, s15;
	s7 =	sand.u32 $0x380, s16;
	v5 =	vld.idx.msk [tilespmem:v1+s24+$0x0], $0xffff  }
0x11d: {  	s11 =	sor.u32 s1, s9;
	s15 =	sor.u32 s7, s19;
	s22 =	sand.u32 $0x40, s14  }
0x11e: {  	s6 =	sor.u32 s10, s9;
	s8 =	sor.u32 s22, s15;
	[tilespmem:s11+$0x0] =	vst v3  }
0x11f: {  	s12 =	sor.u32 s2, s9;
	[tilespmem:s6+$0x0] =	vst v6;
	v6 =	vld [tilespmem:s8+$0x1500]  }
0x120: {  	s13 =	sor.u32 s4, s9;
	[tilespmem:s12+$0x0] =	vst v4;
	v3 =	vld.idx.msk [tilespmem:v7+s21+$0x0], $0xffff  }
0x121: {  	s6 =	sor.u32 $0x10, s22;
	v4 =	vld.idx.msk [tilespmem:v2+s21+$0x0], $0xffff;
	[tilespmem:s13+$0x0] =	vst v5  }
0x122: {  	s9 =	sor.u32 s6, s15;
	v8 =	vld.idx.msk [tilespmem:v1+s21+$0x0], $0xffff  }
0x123: {  	s5 =	sadd.s32 $0x10500, s3;
	s13 =	sor.u32 $0x30, s22;
	v5 =	vld [tilespmem:s9+$0x1500]  }
0x124: {  	s20 =	sor.u32 s1, s5;
	s16 =	sor.u32 $0x20, s22;
	v9 =	vld.idx.msk [tilespmem:v0+s21+$0x0], $0xffff;
	s7 =	sor.u32 s13, s15  }
0x125: {  	s11 =	sor.u32 s16, s15;
	s12 =	sor.u32 s2, s5;
	[tilespmem:s20+$0x0] =	vst v3;
	v3 =	vld [tilespmem:s7+$0x1500]  }
0x126: {  	[tilespmem:s12+$0x0] =	vst v4;
	v4 =	vld [tilespmem:s11+$0x1500]  }
0x127: {  	s14 =	sor.u32 s4, s5;
	v10 =	vld.idx.msk [tilespmem:v7+s29+$0x0], $0xffff  }
0x128: {  	[tilespmem:s14+$0x0] =	vst v8;
	v8 =	vld.idx.msk [tilespmem:v2+s29+$0x0], $0xffff  }
0x129: {  	v11 =	vld.idx.msk [tilespmem:v1+s29+$0x0], $0xffff  }
0x12a: {  	s5 =	sor.u32 s10, s5;
	s12 =	sadd.s32 $0x11500, s3;
	v13 =	vld.idx.msk [tilespmem:v6+s26+$0x0], $0xffff  }
0x12b: {  	[tilespmem:s5+$0x0] =	vst v9;
	s31 =	sor.u32 s1, s12;
	v14 =	vld.idx.msk [tilespmem:v5+s26+$0x0], $0xffff  }
0x12c: {  	s19 =	sor.u32 s2, s12;
	[tilespmem:s31+$0x0] =	vst v10;
	v10 =	vld.idx.msk [tilespmem:v0+s29+$0x0], $0xffff  }
0x12d: {  	s20 =	sor.u32 s4, s12;
	[tilespmem:s19+$0x0] =	vst v8;
	v9 =	vld.idx.msk [tilespmem:v7+s30+$0x0], $0xffff  }
0x12e: {  	[tilespmem:s20+$0x0] =	vst v11;
	v12 =	vld.idx.msk [tilespmem:v3+s26+$0x0], $0xffff  }
0x12f: {  	[tilespmem:s8+$0xC500] =	vst v13;
	v8 =	vld.idx.msk [tilespmem:v4+s26+$0x0], $0xffff  }
0x130: {  	s5 =	sadd.s32 $0x12500, s3;
	s12 =	sor.u32 s10, s12;
	v11 =	vld.idx.msk [tilespmem:v1+s30+$0x0], $0xffff;
	[tilespmem:s9+$0xC500] =	vst v14  }
0x131: {  	s31 =	sor.u32 s1, s5;
	v14 =	vld.idx.msk [tilespmem:v5+s25+$0x0], $0xffff;
	[tilespmem:s12+$0x0] =	vst v10  }
0x132: {  	[tilespmem:s31+$0x0] =	vst v9;
	v9 =	vld.idx.msk [tilespmem:v2+s30+$0x0], $0xffff  }
0x133: {  	v10 =	vld.idx.msk [tilespmem:v7+s23+$0x0], $0xffff;
	[tilespmem:s7+$0xC500] =	vst v12  }
0x134: {  	s19 =	sor.u32 s4, s5;
	s20 =	sadd.s32 $0xD500, s15;
	v13 =	vld.idx.msk [tilespmem:v6+s25+$0x0], $0xffff;
	[tilespmem:s11+$0xC500] =	vst v8  }
0x135: {  	s31 =	sor.u32 s6, s20;
	[tilespmem:s19+$0x0] =	vst v11;
	v12 =	vld.idx.msk [tilespmem:v3+s25+$0x0], $0xffff  }
0x136: {  	s8 =	sadd.s32 $0x13500, s3;
	s12 =	sor.u32 s2, s5;
	v8 =	vld.idx.msk [tilespmem:v4+s25+$0x0], $0xffff;
	[tilespmem:s31+$0x0] =	vst v14  }
0x137: {  	s14 =	sor.u32 s1, s8;
	v14 =	vld.idx.msk [tilespmem:v5+s28+$0x0], $0xffff;
	[tilespmem:s12+$0x0] =	vst v9  }
0x138: {  	v9 =	vld.idx.msk [tilespmem:v0+s30+$0x0], $0xffff;
	s30 =	sor.u32 s22, s20;
	[tilespmem:s14+$0x0] =	vst v10  }
0x139: {  	s25 =	sor.u32 s13, s20;
	v11 =	vld.idx.msk [tilespmem:v2+s23+$0x0], $0xffff;
	[tilespmem:s30+$0x0] =	vst v13  }
0x13a: {  	s12 =	sor.u32 s16, s20;
	s20 =	sadd.s32 $0xE500, s15;
	v10 =	vld.idx.msk [tilespmem:v7+s0+$0x0], $0xffff;
	[tilespmem:s25+$0x0] =	vst v12  }
0x13b: {  	s31 =	sor.u32 s6, s20;
	v13 =	vld.idx.msk [tilespmem:v6+s28+$0x0], $0xffff;
	[tilespmem:s12+$0x0] =	vst v8  }
0x13c: {  	s5 =	sor.u32 s10, s5;
	v12 =	vld.idx.msk [tilespmem:v3+s28+$0x0], $0xffff;
	[tilespmem:s31+$0x0] =	vst v14  }
0x13d: {  	s7 =	sadd.s32 $0x14500, s3;
	s19 =	sor.u32 s2, s8;
	v8 =	vld.idx.msk [tilespmem:v4+s28+$0x0], $0xffff;
	[tilespmem:s5+$0x0] =	vst v9  }
0x13e: {  	s14 =	sor.u32 s1, s7;
	v9 =	vld.idx.msk [tilespmem:v1+s23+$0x0], $0xffff;
	[tilespmem:s19+$0x0] =	vst v11  }
0x13f: {  	s30 =	sor.u32 s22, s20;
	[tilespmem:s14+$0x0] =	vst v10;
	v10 =	vld.idx.msk [tilespmem:v0+s23+$0x0], $0xffff  }
0x140: {  	s25 =	sor.u32 s13, s20;
	[tilespmem:s30+$0x0] =	vst v13;
	v7 =	vld.idx.msk [tilespmem:v7+s18+$0x0], $0xffff  }
0x141: {  	s12 =	sor.u32 s16, s20;
	[tilespmem:s25+$0x0] =	vst v12  }
0x142: {  	s14 =	sor.u32 s4, s8;
	[tilespmem:s12+$0x0] =	vst v8  }
0x143: {  	s20 =	sor.u32 s10, s8;
	v13 =	vld.idx.msk [tilespmem:v5+s24+$0x0], $0xffff;
	s18 =	sadd.s32 $0x15500, s3;
	[tilespmem:s14+$0x0] =	vst v9  }
0x144: {  	v11 =	vld.idx.msk [tilespmem:v3+s24+$0x0], $0xffff;
	s1 =	sor.u32 s1, s18;
	[tilespmem:s20+$0x0] =	vst v10  }
0x145: {  	v12 =	vld.idx.msk [tilespmem:v6+s24+$0x0], $0xffff;
	[tilespmem:s1+$0x0] =	vst v7  }
0x146: {  	v15 =	vld.idx.msk [tilespmem:v2+s0+$0x0], $0xffff;
	s3 =	rddreg [dreg:$0x11]  }
0x147: {  	s23 =	sadd.s32 $0xF500, s15;
	v14 =	vld.idx.msk [tilespmem:v4+s24+$0x0], $0xffff;
	s3 =	sadd.s32 s17, s3  }
0x148: {  	s24 =	sor.u32 s13, s23;
	v8 =	vld.idx.msk [tilespmem:v1+s0+$0x0], $0xffff;
	[dreg:$0x19] =	wrdreg s3  }
0x149: {  	s25 =	sor.u32 s22, s23;
	[tilespmem:s24+$0x0] =	vst v11;
	v7 =	vld.idx.msk [tilespmem:v0+s0+$0x0], $0xffff  }
0x14a: {  	s11 =	sor.u32 s10, s7;
	s30 =	sor.u32 s2, s7;
	s31 =	sor.u32 s6, s23;
	[tilespmem:s25+$0x0] =	vst v12;
	v12 =	vld.idx.msk [tilespmem:v3+s21+$0x0], $0xffff  }
0x14b: {  	s12 =	simm.s32 $0x4;
	s5 =	sor.u32 s16, s23;
	s19 =	sor.u32 s2, s18;
	[tilespmem:s31+$0x0] =	vst v13;
	v10 =	vld.idx.msk [tilespmem:v6+s21+$0x0], $0xffff  }
0x14c: {  	s2 =	simm.s32 $0x20;
	s20 =	sor.u32 s10, s18;
	s10 =	simm.s32 $0x400;
	[tilespmem:s5+$0x0] =	vst v14;
	v11 =	vld.idx.msk [tilespmem:v5+s21+$0x0], $0xffff  }
0x14d: {  	s17 =	sor.u32 s4, s7;
	s3 =	sor.u32 s4, s18;
	s4 =	simm.s32 $0x80;
	[tilespmem:s30+$0x0] =	vst v15;
	v9 =	vld.idx.msk [tilespmem:v4+s21+$0x0], $0xffff  }
.LBB2_5:
0x14e: {  	s0 =	simm.s32 $0x480  }
0x14f: {  	s14 =	sand.u32 $0x40, s4;
	s1 =	sand.u32 $0xC00, s10;
	s5 =	sadd.s32 $0x10500, s15;
	[tilespmem:s17+$0x0] =	vst v8;
	v13 =	vld.idx.msk [tilespmem:v2+s0+$0x0], $0xffff;
	v2 =	vmov v6  }
0x150: {  	s7 =	sand.u32 $0x380, s2;
	s12 =	sadd.s32 $0x4, s12;
	s8 =	sor.u32 s13, s5;
	v8 =	vld.idx.msk [tilespmem:v1+s0+$0x0], $0xffff;
	[tilespmem:s11+$0x0] =	vst v7;
	v1 =	vmov v5  }
0x151: {  	s7 =	sor.u32 s7, s1;
	s18 =	sor.u32 $0x30, s14;
	p0 =	slt.u32 s12, $0xFC;
	[tilespmem:s8+$0x0] =	vst v12;
	v7 =	vld.idx.msk [tilespmem:v0+s0+$0x0], $0xffff;
	v0 =	vmov v4  }
0x152: {  	s9 =	sor.u32 $0x20, s14;
	s11 =	sor.u32 s18, s7;
	s8 =	sor.u32 $0x10, s14;
	v12 =	vld.idx.msk [tilespmem:v3+s29+$0x0], $0xffff  }
0x153: {  	s17 =	sor.u32 s14, s7;
	s1 =	sor.u32 s9, s7;
	s21 =	sor.u32 s8, s7;
	v14 =	vld [tilespmem:s11+$0x1500]  }
0x154: {  	s23 =	sor.u32 s22, s5;
	s24 =	sor.u32 s6, s5;
	s5 =	sor.u32 s16, s5;
	v6 =	vld [tilespmem:s17+$0x1500]  }
0x155: {  	v5 =	vld [tilespmem:s21+$0x1500];
	[tilespmem:s23+$0x0] =	vst v10  }
0x156: {  	s23 =	sadd.s32 $0x11500, s15;
	v4 =	vld [tilespmem:s1+$0x1500];
	[tilespmem:s24+$0x0] =	vst v11  }
0x157: {  	s24 =	sor.u32 s22, s23;
	s25 =	sor.u32 s6, s23;
	v10 =	vld.idx.msk [tilespmem:v2+s29+$0x0], $0xffff;
	[tilespmem:s5+$0x0] =	vst v9;
	s5 =	sor.u32 s13, s23  }
0x158: {  	s31 =	simm.s32 $0x300;
	s23 =	sor.u32 s16, s23;
	v9 =	vld.idx.msk [tilespmem:v1+s29+$0x0], $0xffff;
	[tilespmem:s5+$0x0] =	vst v12  }
0x159: {  	v11 =	vld.idx.msk [tilespmem:v3+s31+$0x0], $0xffff;
	[tilespmem:s19+$0x0] =	vst v13  }
0x15a: {  	v12 =	vld.idx.msk [tilespmem:v0+s29+$0x0], $0xffff;
	[tilespmem:s3+$0x0] =	vst v8  }
0x15b: {  	v8 =	vld.idx.msk [tilespmem:v14+s26+$0x0], $0xffff;
	[tilespmem:s20+$0x0] =	vst v7  }
0x15c: {  	s3 =	sadd.s32 $0x12500, s15;
	v7 =	vld.idx.msk [tilespmem:v6+s26+$0x0], $0xffff  }
0x15d: {  	s5 =	sor.u32 s22, s3;
	v13 =	vld.idx.msk [tilespmem:v5+s26+$0x0], $0xffff;
	[tilespmem:s24+$0x0] =	vst v10  }
0x15e: {  	s19 =	sor.u32 s6, s3;
	s20 =	sor.u32 s13, s3;
	v10 =	vld.idx.msk [tilespmem:v4+s26+$0x0], $0xffff;
	[tilespmem:s25+$0x0] =	vst v9;
	s25 =	simm.s32 $0x80  }
0x15f: {  	s30 =	simm.s32 $0x380;
	s24 =	sor.u32 s16, s3;
	v9 =	vld.idx.msk [tilespmem:v2+s31+$0x0], $0xffff;
	[tilespmem:s20+$0x0] =	vst v11  }
0x160: {  	[tilespmem:s23+$0x0] =	vst v12;
	v11 =	vld.idx.msk [tilespmem:v3+s30+$0x0], $0xffff  }
0x161: {  	[tilespmem:s11+$0xC500] =	vst v8;
	v8 =	vld.idx.msk [tilespmem:v1+s31+$0x0], $0xffff  }
0x162: {  	[tilespmem:s17+$0xC500] =	vst v7;
	v7 =	vld.idx.msk [tilespmem:v14+s25+$0x0], $0xffff  }
0x163: {  	v12 =	vld.idx.msk [tilespmem:v6+s25+$0x0], $0xffff;
	[tilespmem:s21+$0xC500] =	vst v13  }
0x164: {  	v13 =	vld.idx.msk [tilespmem:v5+s25+$0x0], $0xffff;
	[tilespmem:s1+$0xC500] =	vst v10;
	s1 =	sadd.s32 $0x13500, s15  }
0x165: {  	v10 =	vld.idx.msk [tilespmem:v4+s25+$0x0], $0xffff;
	[tilespmem:s5+$0x0] =	vst v9;
	s5 =	sor.u32 s22, s1;
	s3 =	sor.u32 s6, s1;
	s11 =	sor.u32 s13, s1  }
0x166: {  	s17 =	sadd.s32 $0xD500, s7;
	s21 =	sor.u32 s16, s1;
	v9 =	vld.idx.msk [tilespmem:v0+s31+$0x0], $0xffff;
	[tilespmem:s11+$0x0] =	vst v11;
	s31 =	simm.s32 $0x400  }
0x167: {  	s20 =	sor.u32 s18, s17;
	s1 =	sor.u32 s14, s17;
	s11 =	sor.u32 s8, s17;
	[tilespmem:s19+$0x0] =	vst v8;
	v8 =	vld.idx.msk [tilespmem:v3+s31+$0x0], $0xffff  }
0x168: {  	s17 =	sor.u32 s9, s17;
	[tilespmem:s20+$0x0] =	vst v7;
	v7 =	vld.idx.msk [tilespmem:v2+s30+$0x0], $0xffff  }
0x169: {  	[tilespmem:s1+$0x0] =	vst v12;
	v11 =	vld.idx.msk [tilespmem:v14+s28+$0x0], $0xffff  }
0x16a: {  	v12 =	vld.idx.msk [tilespmem:v6+s28+$0x0], $0xffff;
	[tilespmem:s11+$0x0] =	vst v13  }
0x16b: {  	s11 =	sadd.s32 $0x14500, s15;
	v13 =	vld.idx.msk [tilespmem:v5+s28+$0x0], $0xffff;
	[tilespmem:s17+$0x0] =	vst v10  }
0x16c: {  	s1 =	sor.u32 s22, s11;
	s17 =	sor.u32 s6, s11;
	s19 =	sor.u32 s13, s11;
	v10 =	vld.idx.msk [tilespmem:v4+s28+$0x0], $0xffff;
	[tilespmem:s24+$0x0] =	vst v9  }
0x16d: {  	s20 =	sadd.s32 $0xE500, s7;
	s11 =	sor.u32 s16, s11;
	v9 =	vld.idx.msk [tilespmem:v1+s30+$0x0], $0xffff;
	[tilespmem:s19+$0x0] =	vst v8  }
0x16e: {  	s23 =	sor.u32 s8, s20;
	s24 =	sor.u32 s18, s20;
	s19 =	sor.u32 s14, s20;
	[tilespmem:s5+$0x0] =	vst v7;
	v7 =	vld.idx.msk [tilespmem:v3+s0+$0x0], $0xffff;
	v3 =	vmov v14  }
0x16f: {  	s5 =	sor.u32 s9, s20;
	[tilespmem:s24+$0x0] =	vst v11;
	s24 =	simm.s32 $0x180;
	v11 =	vld.idx.msk [tilespmem:v0+s30+$0x0], $0xffff  }
0x170: {  	[tilespmem:s19+$0x0] =	vst v12;
	v12 =	vld.idx.msk [tilespmem:v14+s24+$0x0], $0xffff  }
0x171: {  	v14 =	vld.idx.msk [tilespmem:v6+s24+$0x0], $0xffff;
	[tilespmem:s23+$0x0] =	vst v13  }
0x172: {  	v13 =	vld.idx.msk [tilespmem:v5+s24+$0x0], $0xffff;
	[tilespmem:s5+$0x0] =	vst v10;
	s5 =	sadd.s32 $0x15500, s15;
	s15 =	smov.u32 s7  }
0x173: {  	s19 =	sor.u32 s22, s5;
	[tilespmem:s3+$0x0] =	vst v9;
	s3 =	sor.u32 s6, s5  }
0x174: {  	v15 =	vld.idx.msk [tilespmem:v4+s24+$0x0], $0xffff;
	s6 =	sor.u32 s13, s5;
	s7 =	sadd.s32 $0xF500, s15;
	s22 =	smov.u32 s14  }
0x175: {  	s20 =	sor.u32 s16, s5;
	v16 =	vld.idx.msk [tilespmem:v2+s31+$0x0], $0xffff;
	[tilespmem:s6+$0x0] =	vst v7;
	s5 =	sor.u32 s22, s7  }
0x176: {  	s14 =	sor.u32 s8, s7;
	s6 =	sor.u32 s18, s7;
	v8 =	vld.idx.msk [tilespmem:v1+s31+$0x0], $0xffff;
	[tilespmem:s21+$0x0] =	vst v11;
	s21 =	simm.s32 $0x200  }
.Ltmp1:
0x177: {  	s13 =	smov.u32 s18;
	s7 =	sor.u32 s9, s7;
	[tilespmem:s6+$0x0] =	vst v12;
	v7 =	vld.idx.msk [tilespmem:v0+s31+$0x0], $0xffff;
	(pc) =	sbr.rel @p0 .LBB2_5-.Ltmp1, $4  }
0x178: {  	s16 =	smov.u32 s9;
	s6 =	smov.u32 s8;
	[tilespmem:s5+$0x0] =	vst v14;
	v12 =	vld.idx.msk [tilespmem:v3+s21+$0x0], $0xffff  }
0x179: {  	v10 =	vld.idx.msk [tilespmem:v6+s21+$0x0], $0xffff;
	[tilespmem:s14+$0x0] =	vst v13  }
0x17a: {  	v11 =	vld.idx.msk [tilespmem:v5+s21+$0x0], $0xffff;
	[tilespmem:s7+$0x0] =	vst v15  }
0x17b: {  	s4 =	sadd.s32 $0x40, s4;
	s10 =	sadd.s32 $0x200, s10;
	s2 =	sadd.s32 $0x10, s2;
	v9 =	vld.idx.msk [tilespmem:v4+s21+$0x0], $0xffff;
	[tilespmem:s1+$0x0] =	vst v16  }
0x17c: {  	_ = 	snop  }
0x17d: {  	s1 =	sadd.s32 $0x10500, s15  }
0x17e: {  	s2 =	sor.u32 s13, s1  }
0x17f: {  	s7 =	sor.u32 s22, s1;
	[tilespmem:s2+$0x0] =	vst v12  }
0x180: {  	[tilespmem:s7+$0x0] =	vst v10;
	v12 =	vld.idx.msk [tilespmem:v3+s29+$0x0], $0xffff  }
0x181: {  	s8 =	sor.u32 s6, s1;
	v10 =	vld.idx.msk [tilespmem:v6+s29+$0x0], $0xffff  }
0x182: {  	s1 =	sor.u32 s16, s1;
	[tilespmem:s8+$0x0] =	vst v11  }
0x183: {  	s9 =	sadd.s32 $0x11500, s15;
	[tilespmem:s1+$0x0] =	vst v9;
	v48 =	vld.idx.msk [tilespmem:v5+s29+$0x0], $0xffff  }
0x184: {  	s10 =	sor.u32 s13, s9;
	v49 =	vld.idx.msk [tilespmem:v4+s29+$0x0], $0xffff  }
0x185: {  	s0 =	simm.s32 $0x300;
	s12 =	sor.u32 s22, s9;
	[tilespmem:s10+$0x0] =	vst v12  }
0x186: {  	[tilespmem:s12+$0x0] =	vst v10;
	v50 =	vld.idx.msk [tilespmem:v3+s0+$0x0], $0xffff  }
0x187: {  	s14 =	sor.u32 s6, s9;
	v51 =	vld.idx.msk [tilespmem:v6+s0+$0x0], $0xffff  }
0x188: {  	s1 =	sor.u32 s16, s9;
	[tilespmem:s14+$0x0] =	vst v48  }
0x189: {  	s18 =	sadd.s32 $0x12500, s15;
	[tilespmem:s1+$0x0] =	vst v49;
	v52 =	vld.idx.msk [tilespmem:v5+s0+$0x0], $0xffff  }
0x18a: {  	s23 =	sor.u32 s13, s18;
	v53 =	vld.idx.msk [tilespmem:v4+s0+$0x0], $0xffff  }
0x18b: {  	s26 =	sor.u32 s22, s18;
	s29 =	simm.s32 $0x380;
	[tilespmem:s23+$0x0] =	vst v50  }
0x18c: {  	[tilespmem:s26+$0x0] =	vst v51;
	v54 =	vld.idx.msk [tilespmem:v3+s29+$0x0], $0xffff  }
0x18d: {  	s28 =	sor.u32 s6, s18;
	v55 =	vld.idx.msk [tilespmem:v6+s29+$0x0], $0xffff  }
0x18e: {  	s1 =	sor.u32 s16, s18;
	[tilespmem:s28+$0x0] =	vst v52  }
0x18f: {  	s31 =	sadd.s32 $0x13500, s15;
	[tilespmem:s1+$0x0] =	vst v53;
	v11 =	vld.idx.msk [tilespmem:v5+s29+$0x0], $0xffff  }
0x190: {  	[tilespmem:s17+$0x0] =	vst v8;
	s7 =	sor.u32 s13, s31;
	s8 =	simm.s32 $0x480;
	v12 =	vld.idx.msk [tilespmem:v4+s29+$0x0], $0xffff  }
0x191: {  	s5 =	simm.s32 $0x400;
	s4 =	sor.u32 s22, s31;
	v2 =	vld.idx.msk [tilespmem:v2+s8+$0x0], $0xffff;
	[tilespmem:s7+$0x0] =	vst v54  }
0x192: {  	[tilespmem:s4+$0x0] =	vst v55;
	v56 =	vld.idx.msk [tilespmem:v3+s5+$0x0], $0xffff  }
0x193: {  	[tilespmem:s11+$0x0] =	vst v7;
	s9 =	sor.u32 s6, s31;
	v57 =	vld.idx.msk [tilespmem:v6+s5+$0x0], $0xffff  }
0x194: {  	v1 =	vld.idx.msk [tilespmem:v1+s8+$0x0], $0xffff;
	s1 =	sor.u32 s16, s31;
	[tilespmem:s9+$0x0] =	vst v11  }
0x195: {  	s10 =	sadd.s32 $0x14500, s15;
	v58 =	vld.idx.msk [tilespmem:v5+s5+$0x0], $0xffff;
	[tilespmem:s1+$0x0] =	vst v12  }
0x196: {  	[tilespmem:s19+$0x0] =	vst v2;
	s11 =	sor.u32 s13, s10;
	v59 =	vld.idx.msk [tilespmem:v4+s5+$0x0], $0xffff  }
0x197: {  	v0 =	vld.idx.msk [tilespmem:v0+s8+$0x0], $0xffff;
	s12 =	sor.u32 s22, s10;
	[tilespmem:s11+$0x0] =	vst v56  }
0x198: {  	[tilespmem:s12+$0x0] =	vst v57;
	v60 =	vld.idx.msk [tilespmem:v3+s8+$0x0], $0xffff  }
0x199: {  	s14 =	sor.u32 s6, s10;
	[tilespmem:s3+$0x0] =	vst v1;
	v61 =	vld.idx.msk [tilespmem:v6+s8+$0x0], $0xffff  }
0x19a: {  	s1 =	sor.u32 s16, s10;
	[tilespmem:s14+$0x0] =	vst v58  }
0x19b: {  	s15 =	sadd.s32 $0x15500, s15;
	v62 =	vld.idx.msk [tilespmem:v5+s8+$0x0], $0xffff;
	[tilespmem:s1+$0x0] =	vst v59  }
0x19c: {  	[tilespmem:s20+$0x0] =	vst v0;
	s17 =	sor.u32 s13, s15;
	v63 =	vld.idx.msk [tilespmem:v4+s8+$0x0], $0xffff  }
0x19d: {  	s18 =	sor.u32 s22, s15;
	[tilespmem:s17+$0x0] =	vst v60  }
0x19e: {  	[tilespmem:s18+$0x0] =	vst v61  }
0x19f: {  	s19 =	sor.u32 s6, s15;
	s20 =	rddreg [dreg:$0x19]  }
0x1a0: {  	s1 =	sor.u32 s16, s15;
	[tilespmem:s19+$0x0] =	vst v62;
	s22 =	sshll.u32 s20, $0x9  }
0x1a1: {  	s26 =	rddreg [dreg:$0x2];
	[tilespmem:s1+$0x0] =	vst v63;
	s23 =	sand.u32 $0xFFFFE00, s22  }
0x1a2: {  	s1 =	sadd.s32 s26, s23;
	s26 =	rddreg [dreg:$0x16]  }
0x1a3: {  	p0 =	seq.s32 s26, $0xB  }
.Ltmp2:
0x1a4: {  	_ = 	snop;
	(pc) =	sbr.rel @p0 .LBB2_8-.Ltmp2, $4  }
0x1a5: {  	s30 =	simm.s32 $0x480;
	s0 =	simm.s32 $0x400  }
0x1a6: {  	s28 =	simm.s32 $0x1000;
	s31 =	simm.s32 $0xC500;
	s29 =	simm.s32 $0x320000  }
0x1a7: {  	s19 =	simm.s32 $0x280;
	s20 =	simm.s32 $0x300;
	s23 =	simm.s32 $0x380  }
0x1a8: {  	[hbm4b:s1+s28] =	stream.strided.scatter [tilespmem:s31], [sflag:$0x4], $0xA000, s29, s28, $0x38;
	[tilespmem:$0x16500] =	vst v63  }
0x1a9: {  	s1 =	rddreg [dreg:$0x12]  }
0x1aa: {  	s2 =	rddreg [dreg:$0x17]  }
.Ltmp3:
0x1ab: {  	s1 =	sadd.s32 s2, s1;
	(pc) =	sbr.rel .LBB2_2-.Ltmp3, $4  }
0x1ac: {  	s29 =	rddreg [dreg:$0x1];
	s1 =	sshll.u32 s1, $0x9  }
0x1ad: {  	s18 =	simm.s32 $0x0;
	s31 =	simm.s32 $0x1500;
	s1 =	sand.u32 $0xFFFFE00, s1  }
0x1ae: {  	s26 =	sadd.s32 $0x1, s26;
	s5 =	simm.s32 $0x100;
	s1 =	sadd.s32 s29, s1  }
0x1af: {  	[tilespmem:s31], [sflag:$0x2] =	stream.linear.gather [hbm4b:s1+s18], $0x1000, $0x38;
	[tilespmem:$0x16500] =	vst v63  }
.LBB2_8:
0x1b0: {  	s1 =	simm.s32 $0x1  }
0x1b1: {  	_ =	swait.ge [sflag:s1], $0x1000  }
0x1b2: {  	s11 =	simm.s32 $0x0;
	[sflag:s1] =	ssyncset.done $0x0  }
0x1b3: {  	s4 =	simm.s32 $0x3;
	s2 =	sand.u32 $0x40, s11;
	[sflag:s1] =	ssyncadd.s32 $0xFFFFF000  }
0x1b4: {  	s3 =	sand.u32 $0xC00, s11;
	s1 =	sand.u32 $0x380, s11;
	_ =	swait.ge [sflag:s4], $0xA000  }
0x1b5: {  	s3 =	sor.u32 s1, s3;
	s1 =	sor.u32 $0x30, s2;
	[sflag:s4] =	ssyncset.done $0x0  }
0x1b6: {  	s5 =	sor.u32 s1, s3;
	[sflag:s4] =	ssyncadd.s32 $0xFFFF6000  }
0x1b7: {  	s10 =	sor.u32 $0x20, s2;
	s6 =	sor.u32 s2, s3;
	v7 =	vld [tilespmem:s5+$0x500]  }
0x1b8: {  	s8 =	sor.u32 s10, s3;
	s4 =	sor.u32 $0x10, s2;
	v2 =	vld [tilespmem:s6+$0x500]  }
0x1b9: {  	s7 =	sor.u32 s4, s3;
	v0 =	vld [tilespmem:s8+$0x500]  }
0x1ba: {  	v1 =	vld [tilespmem:s7+$0x500];
	_ =	sdelay $0x3  }
0x1bb: {  	s19 =	simm.s32 $0x0  }
0x1bc: {  	v3 =	vld.idx.msk [tilespmem:v7+s19+$0x0], $0xffff  }
0x1bd: {  	v4 =	vld.idx.msk [tilespmem:v2+s19+$0x0], $0xffff  }
0x1be: {  	v6 =	vld.idx.msk [tilespmem:v0+s19+$0x0], $0xffff  }
0x1bf: {  	v5 =	vld.idx.msk [tilespmem:v1+s19+$0x0], $0xffff;
	_ =	sdelay $0x1  }
0x1c0: {  	[tilespmem:s5+$0x2500] =	vst v3  }
0x1c1: {  	[tilespmem:s6+$0x2500] =	vst v4;
	v3 =	vld.idx.msk [tilespmem:v7+s25+$0x0], $0xffff  }
0x1c2: {  	[tilespmem:s8+$0x2500] =	vst v6;
	v4 =	vld.idx.msk [tilespmem:v2+s25+$0x0], $0xffff  }
0x1c3: {  	[tilespmem:s7+$0x2500] =	vst v5;
	v6 =	vld.idx.msk [tilespmem:v0+s25+$0x0], $0xffff  }
0x1c4: {  	s12 =	sadd.s32 $0x3500, s3;
	v5 =	vld.idx.msk [tilespmem:v1+s25+$0x0], $0xffff  }
0x1c5: {  	s13 =	sor.u32 s1, s12  }
0x1c6: {  	s28 =	simm.s32 $0x100;
	s14 =	sor.u32 s2, s12;
	[tilespmem:s13+$0x0] =	vst v3  }
0x1c7: {  	s5 =	sor.u32 s10, s12;
	[tilespmem:s14+$0x0] =	vst v4;
	v3 =	vld.idx.msk [tilespmem:v7+s28+$0x0], $0xffff  }
0x1c8: {  	s15 =	sor.u32 s4, s12;
	[tilespmem:s5+$0x0] =	vst v6;
	v4 =	vld.idx.msk [tilespmem:v2+s28+$0x0], $0xffff  }
0x1c9: {  	[tilespmem:s15+$0x0] =	vst v5;
	v6 =	vld.idx.msk [tilespmem:v0+s28+$0x0], $0xffff  }
0x1ca: {  	s16 =	sadd.s32 $0x4500, s3;
	v5 =	vld.idx.msk [tilespmem:v1+s28+$0x0], $0xffff  }
0x1cb: {  	s17 =	sor.u32 s1, s16  }
0x1cc: {  	s22 =	sor.u32 s2, s16;
	[tilespmem:s17+$0x0] =	vst v3  }
0x1cd: {  	s6 =	sor.u32 s10, s16;
	[tilespmem:s22+$0x0] =	vst v4;
	v3 =	vld.idx.msk [tilespmem:v7+s24+$0x0], $0xffff  }
0x1ce: {  	s26 =	sor.u32 s4, s16;
	[tilespmem:s6+$0x0] =	vst v6;
	v4 =	vld.idx.msk [tilespmem:v2+s24+$0x0], $0xffff  }
0x1cf: {  	s7 =	sadd.s32 $0x5500, s3;
	[tilespmem:s26+$0x0] =	vst v5;
	v6 =	vld.idx.msk [tilespmem:v0+s24+$0x0], $0xffff  }
0x1d0: {  	s12 =	simm.s32 $0x40;
	s8 =	sor.u32 s1, s7;
	s9 =	sor.u32 s2, s7;
	v5 =	vld.idx.msk [tilespmem:v1+s24+$0x0], $0xffff  }
0x1d1: {  	s11 =	sor.u32 s4, s7;
	s13 =	simm.s32 $0x200;
	s14 =	simm.s32 $0x10  }
0x1d2: {  	s15 =	sand.u32 $0xC00, s13;
	s6 =	sor.u32 s10, s7;
	s7 =	sand.u32 $0x380, s14;
	[tilespmem:s8+$0x0] =	vst v3  }
0x1d3: {  	s17 =	sand.u32 $0x40, s12;
	s15 =	sor.u32 s7, s15;
	[tilespmem:s9+$0x0] =	vst v4;
	v3 =	vld.idx.msk [tilespmem:v7+s21+$0x0], $0xffff  }
0x1d4: {  	[tilespmem:s6+$0x0] =	vst v6;
	s8 =	sor.u32 s17, s15;
	v4 =	vld.idx.msk [tilespmem:v2+s21+$0x0], $0xffff  }
0x1d5: {  	s6 =	sor.u32 $0x10, s17;
	[tilespmem:s11+$0x0] =	vst v5;
	v6 =	vld [tilespmem:s8+$0x500]  }
0x1d6: {  	s9 =	sor.u32 s6, s15;
	v8 =	vld.idx.msk [tilespmem:v1+s21+$0x0], $0xffff  }
0x1d7: {  	s5 =	sadd.s32 $0x6500, s3;
	s13 =	sor.u32 $0x30, s17;
	v5 =	vld [tilespmem:s9+$0x500]  }
0x1d8: {  	s16 =	sor.u32 s1, s5;
	s7 =	sor.u32 s13, s15;
	v9 =	vld.idx.msk [tilespmem:v0+s21+$0x0], $0xffff  }
0x1d9: {  	s18 =	simm.s32 $0x280;
	s12 =	sor.u32 s2, s5;
	[tilespmem:s16+$0x0] =	vst v3;
	v3 =	vld [tilespmem:s7+$0x500]  }
0x1da: {  	s14 =	sor.u32 s4, s5;
	s16 =	sor.u32 $0x20, s17;
	[tilespmem:s12+$0x0] =	vst v4;
	v10 =	vld.idx.msk [tilespmem:v7+s18+$0x0], $0xffff  }
0x1db: {  	s11 =	sor.u32 s16, s15;
	[tilespmem:s14+$0x0] =	vst v8;
	v8 =	vld.idx.msk [tilespmem:v2+s18+$0x0], $0xffff  }
0x1dc: {  	v4 =	vld [tilespmem:s11+$0x500]  }
0x1dd: {  	v11 =	vld.idx.msk [tilespmem:v1+s18+$0x0], $0xffff  }
0x1de: {  	s22 =	sadd.s32 $0x7500, s3;
	s5 =	sor.u32 s10, s5;
	v13 =	vld.idx.msk [tilespmem:v6+s19+$0x0], $0xffff  }
0x1df: {  	s26 =	sor.u32 s1, s22;
	[tilespmem:s5+$0x0] =	vst v9;
	v14 =	vld.idx.msk [tilespmem:v5+s19+$0x0], $0xffff  }
0x1e0: {  	[tilespmem:s26+$0x0] =	vst v10;
	v10 =	vld.idx.msk [tilespmem:v0+s18+$0x0], $0xffff  }
0x1e1: {  	s18 =	sor.u32 s4, s22;
	v9 =	vld.idx.msk [tilespmem:v7+s20+$0x0], $0xffff  }
0x1e2: {  	s14 =	sor.u32 s2, s22;
	[tilespmem:s18+$0x0] =	vst v11;
	v12 =	vld.idx.msk [tilespmem:v3+s19+$0x0], $0xffff  }
0x1e3: {  	[tilespmem:s14+$0x0] =	vst v8;
	v11 =	vld.idx.msk [tilespmem:v1+s20+$0x0], $0xffff  }
0x1e4: {  	s5 =	sadd.s32 $0x8500, s3;
	[tilespmem:s8+$0x2500] =	vst v13;
	v8 =	vld.idx.msk [tilespmem:v4+s19+$0x0], $0xffff  }
0x1e5: {  	v13 =	vld.idx.msk [tilespmem:v6+s25+$0x0], $0xffff;
	[tilespmem:s9+$0x2500] =	vst v14;
	s19 =	sor.u32 s1, s5  }
0x1e6: {  	s12 =	sor.u32 s10, s22;
	[tilespmem:s19+$0x0] =	vst v9;
	v9 =	vld.idx.msk [tilespmem:v2+s20+$0x0], $0xffff  }
0x1e7: {  	v14 =	vld.idx.msk [tilespmem:v5+s25+$0x0], $0xffff;
	[tilespmem:s12+$0x0] =	vst v10  }
0x1e8: {  	v10 =	vld.idx.msk [tilespmem:v7+s23+$0x0], $0xffff;
	[tilespmem:s7+$0x2500] =	vst v12  }
0x1e9: {  	s26 =	sor.u32 s4, s5;
	v12 =	vld.idx.msk [tilespmem:v3+s25+$0x0], $0xffff;
	[tilespmem:s11+$0x2500] =	vst v8  }
0x1ea: {  	s22 =	sor.u32 s2, s5;
	[tilespmem:s26+$0x0] =	vst v11;
	s11 =	sadd.s32 $0x3500, s15;
	v8 =	vld.idx.msk [tilespmem:v4+s25+$0x0], $0xffff  }
0x1eb: {  	s8 =	sadd.s32 $0x9500, s3;
	s18 =	sor.u32 s6, s11;
	[tilespmem:s22+$0x0] =	vst v9;
	v9 =	vld.idx.msk [tilespmem:v0+s20+$0x0], $0xffff  }
0x1ec: {  	s25 =	sor.u32 s1, s8;
	[tilespmem:s18+$0x0] =	vst v14;
	v11 =	vld.idx.msk [tilespmem:v2+s23+$0x0], $0xffff  }
0x1ed: {  	s14 =	sor.u32 s17, s11;
	[tilespmem:s25+$0x0] =	vst v10;
	v14 =	vld.idx.msk [tilespmem:v5+s28+$0x0], $0xffff  }
0x1ee: {  	s12 =	sor.u32 s13, s11;
	[tilespmem:s14+$0x0] =	vst v13;
	v10 =	vld.idx.msk [tilespmem:v7+s0+$0x0], $0xffff  }
0x1ef: {  	s7 =	sor.u32 s16, s11;
	v13 =	vld.idx.msk [tilespmem:v6+s28+$0x0], $0xffff;
	[tilespmem:s12+$0x0] =	vst v12  }
0x1f0: {  	s5 =	sor.u32 s10, s5;
	s22 =	sadd.s32 $0x4500, s15;
	v12 =	vld.idx.msk [tilespmem:v3+s28+$0x0], $0xffff;
	[tilespmem:s7+$0x0] =	vst v8  }
0x1f1: {  	s11 =	sor.u32 s6, s22;
	s7 =	sadd.s32 $0xA500, s3;
	v8 =	vld.idx.msk [tilespmem:v4+s28+$0x0], $0xffff;
	[tilespmem:s5+$0x0] =	vst v9  }
0x1f2: {  	s19 =	sor.u32 s1, s7;
	v9 =	vld.idx.msk [tilespmem:v1+s23+$0x0], $0xffff;
	[tilespmem:s11+$0x0] =	vst v14  }
0x1f3: {  	s26 =	sor.u32 s17, s22;
	[tilespmem:s19+$0x0] =	vst v10;
	v10 =	vld.idx.msk [tilespmem:v0+s23+$0x0], $0xffff  }
0x1f4: {  	s20 =	sor.u32 s2, s8;
	[tilespmem:s26+$0x0] =	vst v13;
	v13 =	vld.idx.msk [tilespmem:v5+s24+$0x0], $0xffff  }
0x1f5: {  	s25 =	sor.u32 s13, s22;
	[tilespmem:s20+$0x0] =	vst v11;
	v7 =	vld.idx.msk [tilespmem:v7+s30+$0x0], $0xffff  }
0x1f6: {  	s5 =	sor.u32 s16, s22;
	[tilespmem:s25+$0x0] =	vst v12;
	v12 =	vld.idx.msk [tilespmem:v6+s24+$0x0], $0xffff  }
0x1f7: {  	s12 =	sor.u32 s4, s8;
	v15 =	vld.idx.msk [tilespmem:v2+s0+$0x0], $0xffff;
	[tilespmem:s5+$0x0] =	vst v8  }
0x1f8: {  	s14 =	sadd.s32 $0xB500, s3;
	s18 =	sor.u32 s10, s8;
	v11 =	vld.idx.msk [tilespmem:v3+s24+$0x0], $0xffff;
	[tilespmem:s12+$0x0] =	vst v9  }
0x1f9: {  	s1 =	sor.u32 s1, s14;
	s19 =	sadd.s32 $0x5500, s15;
	v14 =	vld.idx.msk [tilespmem:v4+s24+$0x0], $0xffff;
	[tilespmem:s18+$0x0] =	vst v10  }
0x1fa: {  	s31 =	simm.s32 $0x380;
	s29 =	simm.s32 $0x480;
	s23 =	sor.u32 s17, s19;
	v8 =	vld.idx.msk [tilespmem:v1+s0+$0x0], $0xffff;
	[tilespmem:s1+$0x0] =	vst v7  }
0x1fb: {  	s3 =	sor.u32 s4, s14;
	s20 =	sor.u32 s4, s7;
	s25 =	sor.u32 s6, s19;
	v7 =	vld.idx.msk [tilespmem:v0+s0+$0x0], $0xffff;
	[tilespmem:s23+$0x0] =	vst v12  }
0x1fc: {  	s11 =	sor.u32 s10, s7;
	s4 =	simm.s32 $0x80;
	s22 =	sor.u32 s13, s19;
	[tilespmem:s25+$0x0] =	vst v13;
	v10 =	vld.idx.msk [tilespmem:v6+s21+$0x0], $0xffff  }
0x1fd: {  	s26 =	sor.u32 s16, s19;
	s19 =	sor.u32 s2, s14;
	s30 =	simm.s32 $0x300;
	[tilespmem:s22+$0x0] =	vst v11;
	v11 =	vld.idx.msk [tilespmem:v5+s21+$0x0], $0xffff  }
0x1fe: {  	s12 =	sor.u32 s10, s14;
	s10 =	simm.s32 $0x400;
	s24 =	sor.u32 s2, s7;
	v12 =	vld.idx.msk [tilespmem:v3+s21+$0x0], $0xffff;
	[tilespmem:s26+$0x0] =	vst v14  }
0x1ff: {  	s2 =	simm.s32 $0x20;
	[tilespmem:s24+$0x0] =	vst v15;
	s1 =	simm.s32 $0x4;
	s0 =	simm.s32 $0x400;
	v9 =	vld.idx.msk [tilespmem:v4+s21+$0x0], $0xffff  }
.LBB2_9:
0x200: {  	s14 =	sand.u32 $0x40, s4  }
0x201: {  	s5 =	sand.u32 $0xC00, s10;
	s21 =	sadd.s32 $0x6500, s15;
	v13 =	vld.idx.msk [tilespmem:v2+s29+$0x0], $0xffff;
	[tilespmem:s20+$0x0] =	vst v8;
	v2 =	vmov v6;
	s7 =	sand.u32 $0x380, s2  }
0x202: {  	s1 =	sadd.s32 $0x4, s1;
	s26 =	simm.s32 $0x280;
	s8 =	sor.u32 s13, s21;
	v8 =	vld.idx.msk [tilespmem:v1+s29+$0x0], $0xffff;
	[tilespmem:s11+$0x0] =	vst v7;
	v1 =	vmov v5  }
0x203: {  	s7 =	sor.u32 s7, s5;
	s18 =	sor.u32 $0x30, s14;
	p0 =	slt.u32 s1, $0xFC;
	[tilespmem:s8+$0x0] =	vst v12;
	v7 =	vld.idx.msk [tilespmem:v0+s29+$0x0], $0xffff;
	v0 =	vmov v4  }
0x204: {  	s9 =	sor.u32 $0x20, s14;
	s8 =	sor.u32 $0x10, s14;
	s5 =	sor.u32 s18, s7;
	v12 =	vld.idx.msk [tilespmem:v3+s26+$0x0], $0xffff  }
0x205: {  	s20 =	sor.u32 s14, s7;
	s11 =	sor.u32 s9, s7;
	s22 =	sor.u32 s8, s7;
	v14 =	vld [tilespmem:s5+$0x500]  }
0x206: {  	s23 =	sor.u32 s17, s21;
	s24 =	sor.u32 s6, s21;
	s21 =	sor.u32 s16, s21;
	v6 =	vld [tilespmem:s20+$0x500]  }
0x207: {  	v5 =	vld [tilespmem:s22+$0x500];
	[tilespmem:s23+$0x0] =	vst v10  }
0x208: {  	s23 =	sadd.s32 $0x7500, s15;
	v4 =	vld [tilespmem:s11+$0x500];
	[tilespmem:s24+$0x0] =	vst v11  }
0x209: {  	s24 =	sor.u32 s17, s23;
	s25 =	sor.u32 s6, s23;
	v10 =	vld.idx.msk [tilespmem:v2+s26+$0x0], $0xffff;
	[tilespmem:s21+$0x0] =	vst v9;
	s21 =	sor.u32 s13, s23  }
0x20a: {  	s23 =	sor.u32 s16, s23;
	v9 =	vld.idx.msk [tilespmem:v1+s26+$0x0], $0xffff;
	[tilespmem:s21+$0x0] =	vst v12  }
0x20b: {  	v11 =	vld.idx.msk [tilespmem:v3+s30+$0x0], $0xffff;
	[tilespmem:s19+$0x0] =	vst v13  }
0x20c: {  	s19 =	simm.s32 $0x0;
	v12 =	vld.idx.msk [tilespmem:v0+s26+$0x0], $0xffff;
	[tilespmem:s3+$0x0] =	vst v8  }
0x20d: {  	v8 =	vld.idx.msk [tilespmem:v14+s19+$0x0], $0xffff;
	[tilespmem:s12+$0x0] =	vst v7  }
0x20e: {  	s3 =	sadd.s32 $0x8500, s15;
	v7 =	vld.idx.msk [tilespmem:v6+s19+$0x0], $0xffff  }
0x20f: {  	s12 =	sor.u32 s17, s3;
	v13 =	vld.idx.msk [tilespmem:v5+s19+$0x0], $0xffff;
	[tilespmem:s24+$0x0] =	vst v10  }
0x210: {  	s21 =	sor.u32 s13, s3;
	v10 =	vld.idx.msk [tilespmem:v4+s19+$0x0], $0xffff;
	[tilespmem:s25+$0x0] =	vst v9;
	s25 =	simm.s32 $0x80;
	s19 =	sor.u32 s6, s3  }
0x211: {  	s24 =	sor.u32 s16, s3;
	v9 =	vld.idx.msk [tilespmem:v2+s30+$0x0], $0xffff;
	[tilespmem:s21+$0x0] =	vst v11  }
0x212: {  	[tilespmem:s23+$0x0] =	vst v12;
	v11 =	vld.idx.msk [tilespmem:v3+s31+$0x0], $0xffff  }
0x213: {  	[tilespmem:s5+$0x2500] =	vst v8;
	v8 =	vld.idx.msk [tilespmem:v1+s30+$0x0], $0xffff  }
0x214: {  	[tilespmem:s20+$0x2500] =	vst v7;
	v7 =	vld.idx.msk [tilespmem:v14+s25+$0x0], $0xffff  }
0x215: {  	v12 =	vld.idx.msk [tilespmem:v6+s25+$0x0], $0xffff;
	[tilespmem:s22+$0x2500] =	vst v13  }
0x216: {  	s5 =	sadd.s32 $0x9500, s15;
	v13 =	vld.idx.msk [tilespmem:v5+s25+$0x0], $0xffff;
	[tilespmem:s11+$0x2500] =	vst v10  }
0x217: {  	s3 =	sor.u32 s6, s5;
	s11 =	sor.u32 s13, s5;
	v10 =	vld.idx.msk [tilespmem:v4+s25+$0x0], $0xffff;
	[tilespmem:s12+$0x0] =	vst v9;
	s12 =	sor.u32 s17, s5  }
0x218: {  	s20 =	sadd.s32 $0x3500, s7;
	s21 =	sor.u32 s16, s5;
	v9 =	vld.idx.msk [tilespmem:v0+s30+$0x0], $0xffff;
	[tilespmem:s11+$0x0] =	vst v11  }
0x219: {  	s22 =	sor.u32 s18, s20;
	s5 =	sor.u32 s14, s20;
	s11 =	sor.u32 s8, s20;
	[tilespmem:s19+$0x0] =	vst v8;
	v8 =	vld.idx.msk [tilespmem:v3+s0+$0x0], $0xffff  }
0x21a: {  	s19 =	sor.u32 s9, s20;
	[tilespmem:s22+$0x0] =	vst v7;
	v7 =	vld.idx.msk [tilespmem:v2+s31+$0x0], $0xffff  }
0x21b: {  	[tilespmem:s5+$0x0] =	vst v12;
	v11 =	vld.idx.msk [tilespmem:v14+s28+$0x0], $0xffff  }
0x21c: {  	v12 =	vld.idx.msk [tilespmem:v6+s28+$0x0], $0xffff;
	[tilespmem:s11+$0x0] =	vst v13  }
0x21d: {  	s5 =	sadd.s32 $0xA500, s15;
	v13 =	vld.idx.msk [tilespmem:v5+s28+$0x0], $0xffff;
	[tilespmem:s19+$0x0] =	vst v10  }
0x21e: {  	s22 =	sor.u32 s17, s5;
	s20 =	sor.u32 s6, s5;
	s19 =	sor.u32 s13, s5;
	v10 =	vld.idx.msk [tilespmem:v4+s28+$0x0], $0xffff;
	[tilespmem:s24+$0x0] =	vst v9  }
0x21f: {  	s23 =	sadd.s32 $0x4500, s7;
	s11 =	sor.u32 s16, s5;
	v9 =	vld.idx.msk [tilespmem:v1+s31+$0x0], $0xffff;
	[tilespmem:s19+$0x0] =	vst v8  }
0x220: {  	s5 =	sor.u32 s14, s23;
	s24 =	sor.u32 s18, s23;
	s19 =	sor.u32 s8, s23;
	[tilespmem:s12+$0x0] =	vst v7;
	v7 =	vld.idx.msk [tilespmem:v3+s29+$0x0], $0xffff;
	v3 =	vmov v14  }
0x221: {  	s12 =	sor.u32 s9, s23;
	[tilespmem:s24+$0x0] =	vst v11;
	s24 =	simm.s32 $0x180;
	v11 =	vld.idx.msk [tilespmem:v0+s31+$0x0], $0xffff  }
0x222: {  	[tilespmem:s5+$0x0] =	vst v12;
	v12 =	vld.idx.msk [tilespmem:v14+s24+$0x0], $0xffff  }
0x223: {  	s5 =	sadd.s32 $0xB500, s15;
	v14 =	vld.idx.msk [tilespmem:v6+s24+$0x0], $0xffff;
	[tilespmem:s19+$0x0] =	vst v13  }
0x224: {  	s15 =	smov.u32 s7;
	s19 =	sor.u32 s17, s5;
	v13 =	vld.idx.msk [tilespmem:v5+s24+$0x0], $0xffff;
	[tilespmem:s12+$0x0] =	vst v10  }
0x225: {  	s7 =	sadd.s32 $0x5500, s15;
	v15 =	vld.idx.msk [tilespmem:v4+s24+$0x0], $0xffff;
	[tilespmem:s3+$0x0] =	vst v9;
	s3 =	sor.u32 s6, s5;
	s6 =	sor.u32 s13, s5  }
0x226: {  	s17 =	smov.u32 s14;
	s12 =	sor.u32 s16, s5;
	s14 =	sor.u32 s8, s7;
	v16 =	vld.idx.msk [tilespmem:v2+s0+$0x0], $0xffff;
	[tilespmem:s6+$0x0] =	vst v7  }
0x227: {  	s5 =	sor.u32 s17, s7;
	s6 =	sor.u32 s18, s7;
	v8 =	vld.idx.msk [tilespmem:v1+s0+$0x0], $0xffff;
	[tilespmem:s21+$0x0] =	vst v11;
	s21 =	simm.s32 $0x200  }
.Ltmp4:
0x228: {  	s13 =	smov.u32 s18;
	s7 =	sor.u32 s9, s7;
	[tilespmem:s6+$0x0] =	vst v12;
	v7 =	vld.idx.msk [tilespmem:v0+s0+$0x0], $0xffff;
	(pc) =	sbr.rel @p0 .LBB2_9-.Ltmp4, $4  }
0x229: {  	s16 =	smov.u32 s9;
	s6 =	smov.u32 s8;
	[tilespmem:s5+$0x0] =	vst v14;
	v12 =	vld.idx.msk [tilespmem:v3+s21+$0x0], $0xffff  }
0x22a: {  	v10 =	vld.idx.msk [tilespmem:v6+s21+$0x0], $0xffff;
	[tilespmem:s14+$0x0] =	vst v13  }
0x22b: {  	v11 =	vld.idx.msk [tilespmem:v5+s21+$0x0], $0xffff;
	[tilespmem:s7+$0x0] =	vst v15  }
0x22c: {  	s4 =	sadd.s32 $0x40, s4;
	s10 =	sadd.s32 $0x200, s10;
	s2 =	sadd.s32 $0x10, s2;
	v9 =	vld.idx.msk [tilespmem:v4+s21+$0x0], $0xffff;
	[tilespmem:s22+$0x0] =	vst v16  }
0x22d: {  	_ = 	snop  }
0x22e: {  	s1 =	sadd.s32 $0x6500, s15  }
0x22f: {  	s2 =	sor.u32 s13, s1  }
0x230: {  	s4 =	simm.s32 $0x280;
	s5 =	sor.u32 s17, s1;
	[tilespmem:s2+$0x0] =	vst v12  }
0x231: {  	s7 =	sor.u32 s6, s1;
	[tilespmem:s5+$0x0] =	vst v10;
	v12 =	vld.idx.msk [tilespmem:v3+s4+$0x0], $0xffff  }
0x232: {  	s1 =	sor.u32 s16, s1;
	[tilespmem:s7+$0x0] =	vst v11;
	v10 =	vld.idx.msk [tilespmem:v6+s4+$0x0], $0xffff  }
0x233: {  	[tilespmem:s1+$0x0] =	vst v9;
	v48 =	vld.idx.msk [tilespmem:v5+s4+$0x0], $0xffff  }
0x234: {  	s8 =	sadd.s32 $0x7500, s15;
	v49 =	vld.idx.msk [tilespmem:v4+s4+$0x0], $0xffff  }
0x235: {  	s9 =	sor.u32 s13, s8  }
0x236: {  	s10 =	sor.u32 s17, s8;
	[tilespmem:s9+$0x0] =	vst v12  }
0x237: {  	s14 =	sor.u32 s6, s8;
	[tilespmem:s10+$0x0] =	vst v10;
	v50 =	vld.idx.msk [tilespmem:v3+s30+$0x0], $0xffff  }
0x238: {  	s1 =	sor.u32 s16, s8;
	[tilespmem:s14+$0x0] =	vst v48;
	v51 =	vld.idx.msk [tilespmem:v6+s30+$0x0], $0xffff  }
0x239: {  	[tilespmem:s1+$0x0] =	vst v49;
	v52 =	vld.idx.msk [tilespmem:v5+s30+$0x0], $0xffff  }
0x23a: {  	s18 =	sadd.s32 $0x8500, s15;
	v53 =	vld.idx.msk [tilespmem:v4+s30+$0x0], $0xffff  }
0x23b: {  	s22 =	sor.u32 s13, s18  }
0x23c: {  	s23 =	sor.u32 s17, s18;
	[tilespmem:s22+$0x0] =	vst v50  }
0x23d: {  	s26 =	sor.u32 s6, s18;
	[tilespmem:s23+$0x0] =	vst v51;
	v54 =	vld.idx.msk [tilespmem:v3+s31+$0x0], $0xffff  }
0x23e: {  	s1 =	sor.u32 s16, s18;
	[tilespmem:s26+$0x0] =	vst v52;
	v55 =	vld.idx.msk [tilespmem:v6+s31+$0x0], $0xffff  }
0x23f: {  	[tilespmem:s1+$0x0] =	vst v53;
	v11 =	vld.idx.msk [tilespmem:v5+s31+$0x0], $0xffff  }
0x240: {  	s28 =	sadd.s32 $0x9500, s15;
	v12 =	vld.idx.msk [tilespmem:v4+s31+$0x0], $0xffff  }
0x241: {  	[tilespmem:s20+$0x0] =	vst v8;
	s4 =	sor.u32 s13, s28  }
0x242: {  	v2 =	vld.idx.msk [tilespmem:v2+s29+$0x0], $0xffff;
	s5 =	sor.u32 s17, s28;
	[tilespmem:s4+$0x0] =	vst v54  }
0x243: {  	s7 =	sor.u32 s6, s28;
	[tilespmem:s5+$0x0] =	vst v55;
	v56 =	vld.idx.msk [tilespmem:v3+s0+$0x0], $0xffff  }
0x244: {  	s1 =	sor.u32 s16, s28;
	[tilespmem:s7+$0x0] =	vst v11;
	v57 =	vld.idx.msk [tilespmem:v6+s0+$0x0], $0xffff  }
0x245: {  	v58 =	vld.idx.msk [tilespmem:v5+s0+$0x0], $0xffff;
	[tilespmem:s1+$0x0] =	vst v12  }
0x246: {  	[tilespmem:s11+$0x0] =	vst v7;
	s8 =	sadd.s32 $0xA500, s15;
	v59 =	vld.idx.msk [tilespmem:v4+s0+$0x0], $0xffff  }
0x247: {  	v1 =	vld.idx.msk [tilespmem:v1+s29+$0x0], $0xffff;
	[tilespmem:s19+$0x0] =	vst v2;
	s9 =	sor.u32 s13, s8  }
0x248: {  	v0 =	vld.idx.msk [tilespmem:v0+s29+$0x0], $0xffff;
	s10 =	sor.u32 s17, s8;
	[tilespmem:s9+$0x0] =	vst v56  }
0x249: {  	s11 =	sor.u32 s6, s8;
	[tilespmem:s10+$0x0] =	vst v57;
	v60 =	vld.idx.msk [tilespmem:v3+s29+$0x0], $0xffff  }
0x24a: {  	s1 =	sor.u32 s16, s8;
	v61 =	vld.idx.msk [tilespmem:v6+s29+$0x0], $0xffff;
	[tilespmem:s11+$0x0] =	vst v58  }
0x24b: {  	v62 =	vld.idx.msk [tilespmem:v5+s29+$0x0], $0xffff;
	[tilespmem:s1+$0x0] =	vst v59  }
0x24c: {  	[tilespmem:s3+$0x0] =	vst v1;
	s14 =	sadd.s32 $0xB500, s15;
	v63 =	vld.idx.msk [tilespmem:v4+s29+$0x0], $0xffff  }
0x24d: {  	[tilespmem:s12+$0x0] =	vst v0;
	s15 =	sor.u32 s13, s14  }
0x24e: {  	s18 =	sor.u32 s17, s14;
	[tilespmem:s15+$0x0] =	vst v60  }
0x24f: {  	s19 =	sor.u32 s6, s14;
	[tilespmem:s18+$0x0] =	vst v61  }
0x250: {  	s1 =	sor.u32 s16, s14;
	[tilespmem:s19+$0x0] =	vst v62  }
0x251: {  	s20 =	simm.s32 $0x1000;
	s22 =	simm.s32 $0x320000;
	[tilespmem:s1+$0x0] =	vst v63  }
0x252: {  	s23 =	simm.s32 $0x2500;
	s26 =	simm.s32 $0x4;
	s1 =	rddreg [dreg:$0x13]  }
0x253: {  	[hbm4b:s1+s20] =	stream.strided.scatter [tilespmem:s23], [sflag:$0x3], $0xA000, s22, s20, $0x38;
	[tilespmem:$0x16500] =	vst v63  }
0x254: {  	_ =	swait.ge [sflag:s26], $0xA000  }
0x255: {  	[sflag:s26] =	ssyncset.done $0x0  }
0x256: {  	s28 =	simm.s32 $0x3;
	[sflag:s26] =	ssyncadd.s32 $0xFFFF6000  }
0x257: {  	_ =	swait.ge [sflag:s28], $0xA000  }
0x258: {  	s29 =	rddreg [dreg:$0x15]  }
0x259: {  	s31 =	rddreg [dreg:$0x14];
	s2 =	sadd.s32 $0x1, s29  }
0x25a: {  	p0 =	sne.s32 s2, s31  }
.Ltmp5:
0x25b: {  	_ = 	snop;
	(pc) =	sbr.rel @p0 .LBB2_1-.Ltmp5, $4  }
0x25c: {  	_ = 	snop  }
0x25d: {  	s30 =	simm.s32 $0x480;
	s5 =	simm.s32 $0x100;
	s0 =	simm.s32 $0x400  }
0x25e: {  	s18 =	simm.s32 $0x0;
	s19 =	simm.s32 $0x280;
	[sflag:s28] =	ssyncset.done $0x0  }
0x25f: {  	s20 =	simm.s32 $0x300;
	s23 =	simm.s32 $0x380;
	[sflag:s28] =	ssyncadd.s32 $0xFFFF6000  }
0x260: {  	_ =	sfence.sel $0x180000  }
0x261: {  	[bflag:$0x0] =	sbarrier.arrive $0xFFFF  }
0x262: {  	_ =	strace $0x90000047  }
0x263: {  	s0 =	stileid.u32;
	[bflag:$0x2] =	sbarrier.arrive $0xFFFF  }
0x264: {  	p0 =	sne.s32 s0, $0x0;
	s0 =	rddreg [dreg:$0x3]  }
0x265: {  	s0 =	sadd.s32 @!p0 $0x100000, s0  }
0x266: {  	[sflag:s0] =	ssyncadd.tile.s32 @!p0 $0x1;
	_ =	shalt  }
.Lfunc_end2:
_tile_overlayer_lowered:
.L_overlay_start_2:
0x267: {  	(tag) =	ssettag $0x2  }
0x268: {  	s0 =	rddreg [dreg:$0x0];
	s2 =	stileid.u32  }
0x269: {  	s1 =	rddreg [dreg:$0x1];
	p0 =	sne.s32 s2, $0x0  }
0x26a: {  	s3 =	rddreg [dreg:$0x2];
	[bflag:$0x3] =	sbarrier.arrive $0xFFFF;
	s2 =	simm.s32 @!p0 $0x1C06  }
0x26b: {  	[timem:s3], [sflag:s2] =	dma.local @!p0 [hbm:s0], s1  }
0x26c: {  	s0 =	simm.s32 @!p0 $0x6  }
0x26d: {  	_ =	swait.ge @!p0 [sflag:s0], s1  }
0x26e: {  	s1 =	ssub.s32 @!p0 $0x0, s1;
	[sflag:s0] =	ssyncset.done @!p0 $0x0  }
0x26f: {  	[sflag:s0] =	ssyncadd.s32 @!p0 s1  }
0x270: {  	[bflag:$0x3] =	sbarrier.arrive $0xFFFF  }
0x271: {  	_ =	shalt  }

</sc_bundles>
